<compile_context>
chip_gen: v7x
topology: tpu7x:2x2x1
jax: 0.10.2.dev20260603
libtpu: 0.0.44.dev20260713+nightly
codegen_flags: <defaults>
</compile_context>

<pallas_src>
import functools

import jax
import jax.numpy as jnp
from jax import lax
from jax.experimental import pallas as pl
from jax.experimental.pallas import tpu as pltpu
from jax.experimental.pallas import tpu_sc as plsc

_K = 16
_TW = 128
_TP1 = 256
_TP2 = 4096
_NC, _NS = 2, 16
_CH = 128


def _stage1_body(feats_ref, pc_ref, pcT_ref, pc2_ref, w0_ref, b0_ref,
                 wbc_ref, wac_ref, bl1_ref, table_ref, idx_ref, v_ref, d_ref):
    b = pl.program_id(0)
    n = pc_ref.shape[1]

    x0 = jnp.maximum(feats_ref[...] @ w0_ref[...] + b0_ref[...], 0.0)
    u = pc2_ref[...] @ wbc_ref[...]
    pad = jnp.zeros((x0.shape[0], _TW - 2 * x0.shape[1] - 2), jnp.float32)
    table_ref[...] = jnp.concatenate([x0, u, pc2_ref[...], pad], axis=1)
    v_ref[...] = pc2_ref[...] @ wac_ref[...] + bl1_ref[...]

    pc_all = pc_ref[0]
    pct = pcT_ref[0]
    xc, yc = pc_all[:, 0:1], pc_all[:, 1:2]
    xt, yt = pct[0:1, :], pct[1:2, :]
    sqc = xc * xc + yc * yc
    sqt = xt * xt + yt * yt
    dot = jnp.dot(pc_all, pct, precision=lax.Precision.DEFAULT)
    d_ref[...] = (sqt - 2.0 * dot) + sqc

    iota = lax.broadcasted_iota(jnp.int32, (n, _TP1), 0)
    rows = []
    idxv = None
    for r in range(_K):
        d = d_ref[...]
        if r:
            d = jnp.where(iota == idxv, jnp.inf, d)
            d_ref[...] = d
        idxv = jnp.argmin(d, axis=0).astype(jnp.int32).reshape(1, _TP1)
        rows.append(idxv + b * n)
    idx_ref[0] = jnp.concatenate(rows, axis=0)


def _stage1(feats2d, pc, pcT, pc2d, W_0, b_0, Wbc, Wac, b_l1):
    bsz, n, _ = pc.shape
    nt = n // _TP1
    f = feats2d.shape[1]
    u = W_0.shape[1]
    return pl.pallas_call(
        _stage1_body,
        grid=(bsz, nt),
        in_specs=[
            pl.BlockSpec((_TP1, f), lambda b, t: (b * nt + t, 0)),
            pl.BlockSpec((1, n, 2), lambda b, t: (b, 0, 0)),
            pl.BlockSpec((1, 2, _TP1), lambda b, t: (b, 0, t)),
            pl.BlockSpec((_TP1, 2), lambda b, t: (b * nt + t, 0)),
            pl.BlockSpec((f, u), lambda b, t: (0, 0)),
            pl.BlockSpec((1, u), lambda b, t: (0, 0)),
            pl.BlockSpec((2, u), lambda b, t: (0, 0)),
            pl.BlockSpec((2, u), lambda b, t: (0, 0)),
            pl.BlockSpec((1, u), lambda b, t: (0, 0)),
        ],
        out_specs=[
            pl.BlockSpec((_TP1, _TW), lambda b, t: (b * nt + t, 0)),
            pl.BlockSpec((1, _K, _TP1), lambda b, t: (b, 0, t)),
            pl.BlockSpec((_TP1, u), lambda b, t: (b * nt + t, 0)),
        ],
        out_shape=[
            jax.ShapeDtypeStruct((bsz * n, _TW), jnp.float32),
            jax.ShapeDtypeStruct((bsz, _K, n), jnp.int32),
            jax.ShapeDtypeStruct((bsz * n, u), jnp.float32),
        ],
        scratch_shapes=[pltpu.VMEM((n, _TP1), jnp.float32)],
    )(feats2d, pc, pcT, pc2d, W_0, b_0, Wbc, Wac, b_l1)


def _sc_gather(idx_flat, table):
    tot = idx_flat.shape[0]
    nw = _NC * _NS
    span = tot // nw
    nch = span // _CH
    nbuf = 4
    mesh = plsc.VectorSubcoreMesh(core_axis_name="c", subcore_axis_name="s")
    idx2d = idx_flat.reshape(tot // _CH, _CH)

    @functools.partial(
        pl.kernel,
        out_type=jax.ShapeDtypeStruct((tot, _TW), jnp.float32),
        mesh=mesh,
        scratch_types=[
            pltpu.VMEM((nch, _CH), jnp.int32),
            pltpu.VMEM((nbuf, _CH, _TW), jnp.float32),
            pltpu.SemaphoreType.DMA,
            pltpu.SemaphoreType.DMA,
        ],
    )
    def gk(idx_hbm, table_hbm, out_hbm, idx_all, rows_v, gsem, ssem):
        wid = lax.axis_index("s") * _NC + lax.axis_index("c")
        pltpu.sync_copy(idx_hbm.at[pl.ds(wid * nch, nch)], idx_all)
        base0 = wid * span

        @pl.loop(0, nch // nbuf)
        def _batch(i):
            gh = [pltpu.async_copy(table_hbm.at[idx_all.at[i * nbuf + b]],
                                   rows_v.at[b], gsem)
                  for b in range(nbuf)]
            for h in gh:
                h.wait()
            sh = [pltpu.async_copy(
                      rows_v.at[b],
                      out_hbm.at[pl.ds(base0 + (i * nbuf + b) * _CH, _CH)],
                      ssem)
                  for b in range(nbuf)]
            for h in sh:
                h.wait()

    return gk(idx2d, table)


def _stage2_body(g_ref, pc2_ref, v_ref, feats_ref, wd_ref, ws1_ref,
                 bs1_ref, wf1_ref, bf1_ref, w1_ref, b1_ref, wres_ref,
                 bres_ref, out_ref, acc_ref):
    k = pl.program_id(2)

    @pl.when(k == 0)
    def _():
        acc_ref[...] = jnp.zeros_like(acc_ref)

    g = g_ref[...]
    xj = g[:, 0:32]
    uj = g[:, 32:64]
    pj = g[:, 64:66]
    pi = pc2_ref[...]
    rel = pi - pj
    norm = jnp.sqrt(rel[:, 0:1] * rel[:, 0:1]
                    + rel[:, 1:2] * rel[:, 1:2] + 1e-12)
    r1 = jnp.maximum(v_ref[...] + uj + norm * wd_ref[...], 0.0)
    l1 = jnp.concatenate([xj, r1], axis=1)
    t = l1 @ ws1_ref[...] + bs1_ref[...]
    e = jnp.exp(t)
    s = e * (1.0 / jnp.sum(e, axis=1, keepdims=True))
    acc_ref[...] += l1 * s

    @pl.when(k == _K - 1)
    def _():
        a1 = acc_ref[...]
        x2 = jnp.maximum(a1 @ wf1_ref[...] + bf1_ref[...], 0.0)
        x3 = jnp.maximum(x2 @ w1_ref[...] + b1_ref[...], 0.0)
        y = jnp.maximum(feats_ref[...] @ wres_ref[...] + bres_ref[...], 0.0)
        z = x3 + y
        out_ref[...] = jnp.where(z > 0.0, z, 0.2 * z)


def _stage2(g, pc2d, v, feats2d, W_d, W_s1, b_s1, W_f1, b_f1, W_1, b_1,
            W_res, b_res, bsz, n):
    nt = n // _TP2
    f = feats2d.shape[1]
    u = W_1.shape[1]
    u4 = v.shape[1]

    def wspec(w):
        return pl.BlockSpec(w.shape, lambda b, t, k: (0, 0))

    return pl.pallas_call(
        _stage2_body,
        grid=(bsz, nt, _K),
        in_specs=[
            pl.BlockSpec((_TP2, _TW), lambda b, t, k: ((b * _K + k) * nt + t, 0)),
            pl.BlockSpec((_TP2, 2), lambda b, t, k: (b * nt + t, 0)),
            pl.BlockSpec((_TP2, u4), lambda b, t, k: (b * nt + t, 0)),
            pl.BlockSpec((_TP2, f), lambda b, t, k: (b * nt + t, 0)),
            wspec(W_d), wspec(W_s1), wspec(b_s1),
            wspec(W_f1), wspec(b_f1), wspec(W_1), wspec(b_1),
            wspec(W_res), wspec(b_res),
        ],
        out_specs=pl.BlockSpec((_TP2, u), lambda b, t, k: (b * nt + t, 0)),
        out_shape=jax.ShapeDtypeStruct((bsz * n, u), jnp.float32),
        scratch_shapes=[pltpu.VMEM((_TP2, 64), jnp.float32)],
    )(g, pc2d, v, feats2d, W_d, W_s1, b_s1, W_f1, b_f1, W_1, b_1,
      W_res, b_res)


def kernel(pc, feats, W_res, b_res, W_0, b_0, W_l0, b_l0, W_l1, b_l1,
           W_s0, b_s0, W_f0, b_f0, W_s1, b_s1, W_f1, b_f1, W_1, b_1):
    bsz, n, _ = pc.shape
    f = feats.shape[-1]

    feats2d = feats.reshape(bsz * n, f)
    pc2d = pc.reshape(bsz * n, 2)
    pcT = jnp.transpose(pc, (0, 2, 1))

    Wbc = W_l1[2:4] - W_l1[4:6]
    Wac = W_l1[0:2] + W_l1[4:6]
    W_d = W_l1[6:7]
    outs = []
    for b2 in range(bsz):
        f2 = feats2d[b2 * n:(b2 + 1) * n]
        p2 = pc2d[b2 * n:(b2 + 1) * n]
        table, idxg, v = _stage1(f2, pc[b2:b2 + 1], pcT[b2:b2 + 1], p2,
                                 W_0, b_0.reshape(1, -1),
                                 Wbc, Wac, b_l1.reshape(1, -1))
        g = _sc_gather(idxg.reshape(_K * n), table)
        outs.append(_stage2(g, p2, v, f2, W_d,
                            W_s1, b_s1.reshape(1, -1),
                            W_f1, b_f1.reshape(1, -1), W_1, b_1.reshape(1, -1),
                            W_res, b_res.reshape(1, -1), 1, n))
    return jnp.stack(outs).reshape(bsz, n, W_1.shape[1])

# --- scband reference (transcript-rebuilt; emitter-appended) ---
"""Pipeline reference for scband-dilated-res-block-64707977282333 (READ-ONLY COPY).

The authoritative reference and input builder live on the scoring server;
editing this copy changes nothing except your own understanding.
"""

import jax, jax.numpy as jnp
import numpy as np

B, N, DIMS = 2, 4096, 2
F = 128
UNITS = 128
K = 16


def _glorot(key, shape):
    lim = float(np.sqrt(6.0 / (shape[0] + shape[1])))
    return jax.random.uniform(key, shape, jnp.float32, -lim, lim)


def setup_inputs(seed: int = 0):
    key = jax.random.key(seed)
    ks = jax.random.split(key, 16)
    pc = jax.random.uniform(ks[0], (B, N, DIMS), jnp.float32)
    feats = jax.random.normal(ks[1], (B, N, F), jnp.float32)
    u4, u2 = UNITS // 4, UNITS // 2
    return {
        "pc": pc, "feats": feats,
        "W_res": _glorot(ks[2], (F, UNITS)), "b_res": jnp.zeros((UNITS,), jnp.float32),
        "W_0": _glorot(ks[3], (F, u4)), "b_0": jnp.zeros((u4,), jnp.float32),
        "W_l0": _glorot(ks[4], (7, u4)), "b_l0": jnp.zeros((u4,), jnp.float32),
        "W_l1": _glorot(ks[5], (7, u4)), "b_l1": jnp.zeros((u4,), jnp.float32),
        "W_s0": _glorot(ks[6], (2 * u4, 2 * u4)), "b_s0": jnp.zeros((2 * u4,), jnp.float32),
        "W_f0": _glorot(ks[7], (2 * u4, u4)), "b_f0": jnp.zeros((u4,), jnp.float32),
        "W_s1": _glorot(ks[8], (2 * u4, 2 * u4)), "b_s1": jnp.zeros((2 * u4,), jnp.float32),
        "W_f1": _glorot(ks[9], (2 * u4, u2)), "b_f1": jnp.zeros((u2,), jnp.float32),
        "W_1": _glorot(ks[10], (u2, UNITS)), "b_1": jnp.zeros((UNITS,), jnp.float32),
    }


def _knn_idx(pc, k):
    sq = jnp.sum(pc * pc, axis=-1)
    d2 = sq[:, :, None] - 2.0 * jnp.einsum('bnd,bmd->bnm', pc, pc) + sq[:, None, :]
    _, idx = jax.lax.top_k(-d2, k)
    return idx


def _gather_neighbours(x, n_idx):
    b, n, k = n_idx.shape
    idx = n_idx.reshape(b, n * k)
    out = jnp.take_along_axis(x, idx[..., None], axis=1)
    return out.reshape(b, n, k, x.shape[-1])


def reference(pc, feats, W_res, b_res, W_0, b_0, W_l0, b_l0, W_l1, b_l1, W_s0, b_s0, W_f0, b_f0, W_s1, b_s1, W_f1, b_f1, W_1, b_1):
    relu = jax.nn.relu
    y = relu(feats @ W_res + b_res)
    x0 = relu(feats @ W_0 + b_0)
    n_idx = _knn_idx(pc, K)
    n_points = _gather_neighbours(pc, n_idx)
    n_feats0 = _gather_neighbours(x0, n_idx)
    Kpc = jnp.repeat(pc[:, :, None, :], K, axis=2)
    relp = Kpc - n_points
    norms = jnp.sqrt(jnp.sum(relp * relp, axis=-1, keepdims=True) + 1e-12)
    rppe = jnp.concatenate([Kpc, n_points, relp, norms], axis=-1)
    # locse_0
    r0 = relu(rppe @ W_l0 + b_l0)
    l0 = jnp.concatenate([n_feats0, r0], axis=-1)
    # att_0
    s0 = jax.nn.softmax(l0 @ W_s0 + b_s0, axis=-1)
    a0 = jnp.sum(l0 * s0, axis=-2, keepdims=True)
    x1 = relu(a0 @ W_f0 + b_f0).reshape(B, N, UNITS // 4)  # att_0 output; unused downstream due to cached LocSE path (faithful to source)
    # locse_1 with cached rppe and cached n_feats from locse_0
    r1 = relu(rppe @ W_l1 + b_l1)
    l1 = jnp.concatenate([n_feats0, r1], axis=-1)
    # att_1
    s1 = jax.nn.softmax(l1 @ W_s1 + b_s1, axis=-1)
    a1 = jnp.sum(l1 * s1, axis=-2, keepdims=True)
    x2 = relu(a1 @ W_f1 + b_f1).reshape(B, N, UNITS // 2)
    x3 = relu(x2 @ W_1 + b_1)
    z = x3 + y
    return jnp.where(z > 0, z, 0.2 * z)

if __name__ == "__main__":
    import jax
    _d = setup_inputs()
    print(jax.jit(kernel)(*tuple(_d.values())))

</pallas_src>

<mosaic_0001>
#map = affine_map<(d0, d1) -> (0, 0)>
module attributes {stable_mosaic.version = 14 : i64} {
  func.func @gk(%arg0: i32, %arg1: i32, %arg2: memref<512x128xi32, #tpu.memory_space<hbm>>, %arg3: memref<4096x128xf32, #tpu.memory_space<hbm>>, %arg4: memref<65536x128xf32, #tpu.memory_space<hbm>>, %arg5: memref<16x128xi32, #tpu.memory_space<vmem>>, %arg6: memref<4x128x128xf32, #tpu.memory_space<vmem>>, %arg7: memref<!tpu.dma_semaphore, #tpu.memory_space<semaphore_mem>>, %arg8: memref<!tpu.dma_semaphore, #tpu.memory_space<semaphore_mem>>) attributes {dimension_semantics = [#tpu.dimension_semantics<core_parallel>, #tpu.dimension_semantics<subcore_parallel>], iteration_bounds = array<i64: 2, 16>, scalar_prefetch = 0 : i64, scratch_operands = 4 : i64, tpu.core_type = #tpu.core_type<sc_vector_subcore>, window_params = [{transform_indices = #map}, {transform_indices = #map}, {transform_indices = #map}]} {
    %mul3A = arith.constant 2 : i32
    %mul3A_0 = arith.muli %arg1, %mul3A : i32
    %add3A = arith.addi %mul3A_0, %arg0 : i32
    %mul3A_1 = arith.constant 16 : i32
    %mul3A_2 = arith.muli %add3A, %mul3A_1 : i32
    "tpu.region"() ({
      %run_scoped3A = tpu.sem_alloc : memref<!tpu.dma_semaphore, #tpu.memory_space<semaphore_mem>>
      %dma_start3A = arith.constant 0 : i32
      %dma_start3A_9 = tpu.memref_slice %arg2[%mul3A_2, %dma_start3A] : memref<512x128xi32, #tpu.memory_space<hbm>> -> memref<16x128xi32, #tpu.memory_space<hbm>>
      %dma_start3A_10 = arith.constant 0 : i32
      %dma_start3A_11 = tpu.memref_slice %arg2[%mul3A_2, %dma_start3A_10] : memref<512x128xi32, #tpu.memory_space<hbm>> -> memref<16x128xi32, #tpu.memory_space<hbm>>
      tpu.enqueue_dma source(%dma_start3A_11 : memref<16x128xi32, #tpu.memory_space<hbm>>) target(%arg5 : memref<16x128xi32, #tpu.memory_space<vmem>>) target_semaphore(%run_scoped3A : memref<!tpu.dma_semaphore, #tpu.memory_space<semaphore_mem>>)
      %dma_wait3A = arith.constant 0 : i32
      %dma_wait3A_12 = tpu.memref_slice %arg2[%mul3A_2, %dma_wait3A] : memref<512x128xi32, #tpu.memory_space<hbm>> -> memref<16x128xi32, #tpu.memory_space<hbm>>
      %dma_wait3A_13 = arith.constant 0 : i32
      %dma_wait3A_14 = tpu.memref_slice %arg2[%mul3A_2, %dma_wait3A_13] : memref<512x128xi32, #tpu.memory_space<hbm>> -> memref<16x128xi32, #tpu.memory_space<hbm>>
      tpu.wait_dma2 semaphore(%run_scoped3A : memref<!tpu.dma_semaphore, #tpu.memory_space<semaphore_mem>>) src(%dma_wait3A_14 : memref<16x128xi32, #tpu.memory_space<hbm>>) dst(%arg5 : memref<16x128xi32, #tpu.memory_space<vmem>>)
      tpu.yield
    }) : () -> ()
    %mul3A_3 = arith.constant 2048 : i32
    %mul3A_4 = arith.muli %add3A, %mul3A_3 : i32
    %scan3A = arith.constant 0 : i32
    %scan3A_5 = arith.constant 4 : i32
    %scan3A_6 = arith.addi %scan3A, %scan3A_5 : i32
    %scan3A_7 = arith.constant 1 : i32
    scf.for %scan3A_9 = %scan3A to %scan3A_6 step %scan3A_7  : i32 {
      %mul3A_10 = arith.constant 1 : i32
      %mul3A_11 = arith.muli %scan3A_9, %mul3A_10 : i32
      %add3A_12 = arith.constant 0 : i32
      %add3A_13 = arith.addi %add3A_12, %mul3A_11 : i32
      %mul3A_14 = arith.constant 4 : i32
      %mul3A_15 = arith.muli %add3A_13, %mul3A_14 : i32
      %add3A_16 = arith.constant 0 : i32
      %add3A_17 = arith.addi %mul3A_15, %add3A_16 : i32
      %dma_start3A = arith.constant 0 : i32
      %dma_start3A_18 = arith.constant 0 : i32
      %dma_start3A_19 = arith.constant 0 : i32
      %dma_start3A_20 = tpu.memref_slice %arg6[%dma_start3A, %dma_start3A_18, %dma_start3A_19] : memref<4x128x128xf32, #tpu.memory_space<vmem>> -> memref<1x128x128xf32, #tpu.memory_space<vmem>>
      %dma_start3A_21 = tpu.memref_squeeze %dma_start3A_20 : memref<1x128x128xf32, #tpu.memory_space<vmem>> -> memref<128x128xf32, #tpu.memory_space<vmem>>
      %dma_start3A_22 = arith.constant 0 : i32
      %dma_start3A_23 = tpu.memref_slice %arg5[%add3A_17, %dma_start3A_22] : memref<16x128xi32, #tpu.memory_space<vmem>> -> memref<1x128xi32, #tpu.memory_space<vmem>>
      %dma_start3A_24 = tpu.memref_squeeze %dma_start3A_23 : memref<1x128xi32, #tpu.memory_space<vmem>> -> memref<128xi32, #tpu.memory_space<vmem>>
      %dma_start3A_25 = arith.constant 0 : i32
      %dma_start3A_26 = arith.constant 0 : i32
      %dma_start3A_27 = tpu.memref_slice %arg3[%dma_start3A_25, %dma_start3A_26] : memref<4096x128xf32, #tpu.memory_space<hbm>> -> memref<4096x128xf32, #tpu.memory_space<hbm>>
      tpu.enqueue_indirect_dma source(%dma_start3A_27 : memref<4096x128xf32, #tpu.memory_space<hbm>>) target(%dma_start3A_21 : memref<128x128xf32, #tpu.memory_space<vmem>>) offsets(%dma_start3A_24 : memref<128xi32, #tpu.memory_space<vmem>>) semaphore(%arg7 : memref<!tpu.dma_semaphore, #tpu.memory_space<semaphore_mem>>)
      %mul3A_28 = arith.constant 4 : i32
      %mul3A_29 = arith.muli %add3A_13, %mul3A_28 : i32
      %add3A_30 = arith.constant 1 : i32
      %add3A_31 = arith.addi %mul3A_29, %add3A_30 : i32
      %dma_start3A_32 = arith.constant 1 : i32
      %dma_start3A_33 = arith.constant 0 : i32
      %dma_start3A_34 = arith.constant 0 : i32
      %dma_start3A_35 = tpu.memref_slice %arg6[%dma_start3A_32, %dma_start3A_33, %dma_start3A_34] : memref<4x128x128xf32, #tpu.memory_space<vmem>> -> memref<1x128x128xf32, #tpu.memory_space<vmem>>
      %dma_start3A_36 = tpu.memref_squeeze %dma_start3A_35 : memref<1x128x128xf32, #tpu.memory_space<vmem>> -> memref<128x128xf32, #tpu.memory_space<vmem>>
      %dma_start3A_37 = arith.constant 0 : i32
      %dma_start3A_38 = tpu.memref_slice %arg5[%add3A_31, %dma_start3A_37] : memref<16x128xi32, #tpu.memory_space<vmem>> -> memref<1x128xi32, #tpu.memory_space<vmem>>
      %dma_start3A_39 = tpu.memref_squeeze %dma_start3A_38 : memref<1x128xi32, #tpu.memory_space<vmem>> -> memref<128xi32, #tpu.memory_space<vmem>>
      %dma_start3A_40 = arith.constant 0 : i32
      %dma_start3A_41 = arith.constant 0 : i32
      %dma_start3A_42 = tpu.memref_slice %arg3[%dma_start3A_40, %dma_start3A_41] : memref<4096x128xf32, #tpu.memory_space<hbm>> -> memref<4096x128xf32, #tpu.memory_space<hbm>>
      tpu.enqueue_indirect_dma source(%dma_start3A_42 : memref<4096x128xf32, #tpu.memory_space<hbm>>) target(%dma_start3A_36 : memref<128x128xf32, #tpu.memory_space<vmem>>) offsets(%dma_start3A_39 : memref<128xi32, #tpu.memory_space<vmem>>) semaphore(%arg7 : memref<!tpu.dma_semaphore, #tpu.memory_space<semaphore_mem>>)
      %mul3A_43 = arith.constant 4 : i32
      %mul3A_44 = arith.muli %add3A_13, %mul3A_43 : i32
      %add3A_45 = arith.constant 2 : i32
      %add3A_46 = arith.addi %mul3A_44, %add3A_45 : i32
      %dma_start3A_47 = arith.constant 2 : i32
      %dma_start3A_48 = arith.constant 0 : i32
      %dma_start3A_49 = arith.constant 0 : i32
      %dma_start3A_50 = tpu.memref_slice %arg6[%dma_start3A_47, %dma_start3A_48, %dma_start3A_49] : memref<4x128x128xf32, #tpu.memory_space<vmem>> -> memref<1x128x128xf32, #tpu.memory_space<vmem>>
      %dma_start3A_51 = tpu.memref_squeeze %dma_start3A_50 : memref<1x128x128xf32, #tpu.memory_space<vmem>> -> memref<128x128xf32, #tpu.memory_space<vmem>>
      %dma_start3A_52 = arith.constant 0 : i32
      %dma_start3A_53 = tpu.memref_slice %arg5[%add3A_46, %dma_start3A_52] : memref<16x128xi32, #tpu.memory_space<vmem>> -> memref<1x128xi32, #tpu.memory_space<vmem>>
      %dma_start3A_54 = tpu.memref_squeeze %dma_start3A_53 : memref<1x128xi32, #tpu.memory_space<vmem>> -> memref<128xi32, #tpu.memory_space<vmem>>
      %dma_start3A_55 = arith.constant 0 : i32
      %dma_start3A_56 = arith.constant 0 : i32
      %dma_start3A_57 = tpu.memref_slice %arg3[%dma_start3A_55, %dma_start3A_56] : memref<4096x128xf32, #tpu.memory_space<hbm>> -> memref<4096x128xf32, #tpu.memory_space<hbm>>
      tpu.enqueue_indirect_dma source(%dma_start3A_57 : memref<4096x128xf32, #tpu.memory_space<hbm>>) target(%dma_start3A_51 : memref<128x128xf32, #tpu.memory_space<vmem>>) offsets(%dma_start3A_54 : memref<128xi32, #tpu.memory_space<vmem>>) semaphore(%arg7 : memref<!tpu.dma_semaphore, #tpu.memory_space<semaphore_mem>>)
      %mul3A_58 = arith.constant 4 : i32
      %mul3A_59 = arith.muli %add3A_13, %mul3A_58 : i32
      %add3A_60 = arith.constant 3 : i32
      %add3A_61 = arith.addi %mul3A_59, %add3A_60 : i32
      %dma_start3A_62 = arith.constant 3 : i32
      %dma_start3A_63 = arith.constant 0 : i32
      %dma_start3A_64 = arith.constant 0 : i32
      %dma_start3A_65 = tpu.memref_slice %arg6[%dma_start3A_62, %dma_start3A_63, %dma_start3A_64] : memref<4x128x128xf32, #tpu.memory_space<vmem>> -> memref<1x128x128xf32, #tpu.memory_space<vmem>>
      %dma_start3A_66 = tpu.memref_squeeze %dma_start3A_65 : memref<1x128x128xf32, #tpu.memory_space<vmem>> -> memref<128x128xf32, #tpu.memory_space<vmem>>
      %dma_start3A_67 = arith.constant 0 : i32
      %dma_start3A_68 = tpu.memref_slice %arg5[%add3A_61, %dma_start3A_67] : memref<16x128xi32, #tpu.memory_space<vmem>> -> memref<1x128xi32, #tpu.memory_space<vmem>>
      %dma_start3A_69 = tpu.memref_squeeze %dma_start3A_68 : memref<1x128xi32, #tpu.memory_space<vmem>> -> memref<128xi32, #tpu.memory_space<vmem>>
      %dma_start3A_70 = arith.constant 0 : i32
      %dma_start3A_71 = arith.constant 0 : i32
      %dma_start3A_72 = tpu.memref_slice %arg3[%dma_start3A_70, %dma_start3A_71] : memref<4096x128xf32, #tpu.memory_space<hbm>> -> memref<4096x128xf32, #tpu.memory_space<hbm>>
      tpu.enqueue_indirect_dma source(%dma_start3A_72 : memref<4096x128xf32, #tpu.memory_space<hbm>>) target(%dma_start3A_66 : memref<128x128xf32, #tpu.memory_space<vmem>>) offsets(%dma_start3A_69 : memref<128xi32, #tpu.memory_space<vmem>>) semaphore(%arg7 : memref<!tpu.dma_semaphore, #tpu.memory_space<semaphore_mem>>)
      %dma_wait3A = arith.constant 0 : i32
      %dma_wait3A_73 = arith.constant 0 : i32
      %dma_wait3A_74 = arith.constant 0 : i32
      %dma_wait3A_75 = tpu.memref_slice %arg6[%dma_wait3A, %dma_wait3A_73, %dma_wait3A_74] : memref<4x128x128xf32, #tpu.memory_space<vmem>> -> memref<1x128x128xf32, #tpu.memory_space<vmem>>
      %dma_wait3A_76 = tpu.memref_squeeze %dma_wait3A_75 : memref<1x128x128xf32, #tpu.memory_space<vmem>> -> memref<128x128xf32, #tpu.memory_space<vmem>>
      %dma_wait3A_77 = arith.constant 0 : i32
      %dma_wait3A_78 = tpu.memref_slice %arg5[%add3A_17, %dma_wait3A_77] : memref<16x128xi32, #tpu.memory_space<vmem>> -> memref<1x128xi32, #tpu.memory_space<vmem>>
      %dma_wait3A_79 = tpu.memref_squeeze %dma_wait3A_78 : memref<1x128xi32, #tpu.memory_space<vmem>> -> memref<128xi32, #tpu.memory_space<vmem>>
      %dma_wait3A_80 = arith.constant 0 : i32
      %dma_wait3A_81 = arith.constant 0 : i32
      %dma_wait3A_82 = tpu.memref_slice %arg3[%dma_wait3A_80, %dma_wait3A_81] : memref<4096x128xf32, #tpu.memory_space<hbm>> -> memref<4096x128xf32, #tpu.memory_space<hbm>>
      tpu.wait_indirect_dma semaphore(%arg7 : memref<!tpu.dma_semaphore, #tpu.memory_space<semaphore_mem>>) src(%dma_wait3A_82 : memref<4096x128xf32, #tpu.memory_space<hbm>>) dst(%dma_wait3A_76 : memref<128x128xf32, #tpu.memory_space<vmem>>)
      %dma_wait3A_83 = arith.constant 1 : i32
      %dma_wait3A_84 = arith.constant 0 : i32
      %dma_wait3A_85 = arith.constant 0 : i32
      %dma_wait3A_86 = tpu.memref_slice %arg6[%dma_wait3A_83, %dma_wait3A_84, %dma_wait3A_85] : memref<4x128x128xf32, #tpu.memory_space<vmem>> -> memref<1x128x128xf32, #tpu.memory_space<vmem>>
      %dma_wait3A_87 = tpu.memref_squeeze %dma_wait3A_86 : memref<1x128x128xf32, #tpu.memory_space<vmem>> -> memref<128x128xf32, #tpu.memory_space<vmem>>
      %dma_wait3A_88 = arith.constant 0 : i32
      %dma_wait3A_89 = tpu.memref_slice %arg5[%add3A_31, %dma_wait3A_88] : memref<16x128xi32, #tpu.memory_space<vmem>> -> memref<1x128xi32, #tpu.memory_space<vmem>>
      %dma_wait3A_90 = tpu.memref_squeeze %dma_wait3A_89 : memref<1x128xi32, #tpu.memory_space<vmem>> -> memref<128xi32, #tpu.memory_space<vmem>>
      %dma_wait3A_91 = arith.constant 0 : i32
      %dma_wait3A_92 = arith.constant 0 : i32
      %dma_wait3A_93 = tpu.memref_slice %arg3[%dma_wait3A_91, %dma_wait3A_92] : memref<4096x128xf32, #tpu.memory_space<hbm>> -> memref<4096x128xf32, #tpu.memory_space<hbm>>
      tpu.wait_indirect_dma semaphore(%arg7 : memref<!tpu.dma_semaphore, #tpu.memory_space<semaphore_mem>>) src(%dma_wait3A_93 : memref<4096x128xf32, #tpu.memory_space<hbm>>) dst(%dma_wait3A_87 : memref<128x128xf32, #tpu.memory_space<vmem>>)
      %dma_wait3A_94 = arith.constant 2 : i32
      %dma_wait3A_95 = arith.constant 0 : i32
      %dma_wait3A_96 = arith.constant 0 : i32
      %dma_wait3A_97 = tpu.memref_slice %arg6[%dma_wait3A_94, %dma_wait3A_95, %dma_wait3A_96] : memref<4x128x128xf32, #tpu.memory_space<vmem>> -> memref<1x128x128xf32, #tpu.memory_space<vmem>>
      %dma_wait3A_98 = tpu.memref_squeeze %dma_wait3A_97 : memref<1x128x128xf32, #tpu.memory_space<vmem>> -> memref<128x128xf32, #tpu.memory_space<vmem>>
      %dma_wait3A_99 = arith.constant 0 : i32
      %dma_wait3A_100 = tpu.memref_slice %arg5[%add3A_46, %dma_wait3A_99] : memref<16x128xi32, #tpu.memory_space<vmem>> -> memref<1x128xi32, #tpu.memory_space<vmem>>
      %dma_wait3A_101 = tpu.memref_squeeze %dma_wait3A_100 : memref<1x128xi32, #tpu.memory_space<vmem>> -> memref<128xi32, #tpu.memory_space<vmem>>
      %dma_wait3A_102 = arith.constant 0 : i32
      %dma_wait3A_103 = arith.constant 0 : i32
      %dma_wait3A_104 = tpu.memref_slice %arg3[%dma_wait3A_102, %dma_wait3A_103] : memref<4096x128xf32, #tpu.memory_space<hbm>> -> memref<4096x128xf32, #tpu.memory_space<hbm>>
      tpu.wait_indirect_dma semaphore(%arg7 : memref<!tpu.dma_semaphore, #tpu.memory_space<semaphore_mem>>) src(%dma_wait3A_104 : memref<4096x128xf32, #tpu.memory_space<hbm>>) dst(%dma_wait3A_98 : memref<128x128xf32, #tpu.memory_space<vmem>>)
      %dma_wait3A_105 = arith.constant 3 : i32
      %dma_wait3A_106 = arith.constant 0 : i32
      %dma_wait3A_107 = arith.constant 0 : i32
      %dma_wait3A_108 = tpu.memref_slice %arg6[%dma_wait3A_105, %dma_wait3A_106, %dma_wait3A_107] : memref<4x128x128xf32, #tpu.memory_space<vmem>> -> memref<1x128x128xf32, #tpu.memory_space<vmem>>
      %dma_wait3A_109 = tpu.memref_squeeze %dma_wait3A_108 : memref<1x128x128xf32, #tpu.memory_space<vmem>> -> memref<128x128xf32, #tpu.memory_space<vmem>>
      %dma_wait3A_110 = arith.constant 0 : i32
      %dma_wait3A_111 = tpu.memref_slice %arg5[%add3A_61, %dma_wait3A_110] : memref<16x128xi32, #tpu.memory_space<vmem>> -> memref<1x128xi32, #tpu.memory_space<vmem>>
      %dma_wait3A_112 = tpu.memref_squeeze %dma_wait3A_111 : memref<1x128xi32, #tpu.memory_space<vmem>> -> memref<128xi32, #tpu.memory_space<vmem>>
      %dma_wait3A_113 = arith.constant 0 : i32
      %dma_wait3A_114 = arith.constant 0 : i32
      %dma_wait3A_115 = tpu.memref_slice %arg3[%dma_wait3A_113, %dma_wait3A_114] : memref<4096x128xf32, #tpu.memory_space<hbm>> -> memref<4096x128xf32, #tpu.memory_space<hbm>>
      tpu.wait_indirect_dma semaphore(%arg7 : memref<!tpu.dma_semaphore, #tpu.memory_space<semaphore_mem>>) src(%dma_wait3A_115 : memref<4096x128xf32, #tpu.memory_space<hbm>>) dst(%dma_wait3A_109 : memref<128x128xf32, #tpu.memory_space<vmem>>)
      %mul3A_116 = arith.constant 4 : i32
      %mul3A_117 = arith.muli %add3A_13, %mul3A_116 : i32
      %add3A_118 = arith.constant 0 : i32
      %add3A_119 = arith.addi %mul3A_117, %add3A_118 : i32
      %mul3A_120 = arith.constant 128 : i32
      %mul3A_121 = arith.muli %add3A_119, %mul3A_120 : i32
      %add3A_122 = arith.addi %mul3A_4, %mul3A_121 : i32
      %dma_start3A_123 = arith.constant 0 : i32
      %dma_start3A_124 = arith.constant 0 : i32
      %dma_start3A_125 = arith.constant 0 : i32
      %dma_start3A_126 = tpu.memref_slice %arg6[%dma_start3A_123, %dma_start3A_124, %dma_start3A_125] : memref<4x128x128xf32, #tpu.memory_space<vmem>> -> memref<1x128x128xf32, #tpu.memory_space<vmem>>
      %dma_start3A_127 = tpu.memref_squeeze %dma_start3A_126 : memref<1x128x128xf32, #tpu.memory_space<vmem>> -> memref<128x128xf32, #tpu.memory_space<vmem>>
      %dma_start3A_128 = arith.constant 0 : i32
      %dma_start3A_129 = tpu.memref_slice %arg4[%add3A_122, %dma_start3A_128] : memref<65536x128xf32, #tpu.memory_space<hbm>> -> memref<128x128xf32, #tpu.memory_space<hbm>>
      %dma_start3A_130 = arith.constant 0 : i32
      %dma_start3A_131 = tpu.memref_slice %arg4[%add3A_122, %dma_start3A_130] : memref<65536x128xf32, #tpu.memory_space<hbm>> -> memref<128x128xf32, #tpu.memory_space<hbm>>
      %dma_start3A_132 = arith.constant 0 : i32
      %dma_start3A_133 = arith.constant 0 : i32
      %dma_start3A_134 = tpu.memref_slice %arg6[%dma_start3A_123, %dma_start3A_132, %dma_start3A_133] : memref<4x128x128xf32, #tpu.memory_space<vmem>> -> memref<1x128x128xf32, #tpu.memory_space<vmem>>
      %dma_start3A_135 = tpu.memref_squeeze %dma_start3A_134 : memref<1x128x128xf32, #tpu.memory_space<vmem>> -> memref<128x128xf32, #tpu.memory_space<vmem>>
      tpu.enqueue_dma source(%dma_start3A_135 : memref<128x128xf32, #tpu.memory_space<vmem>>) target(%dma_start3A_131 : memref<128x128xf32, #tpu.memory_space<hbm>>) target_semaphore(%arg8 : memref<!tpu.dma_semaphore, #tpu.memory_space<semaphore_mem>>)
      %mul3A_136 = arith.constant 4 : i32
      %mul3A_137 = arith.muli %add3A_13, %mul3A_136 : i32
      %add3A_138 = arith.constant 1 : i32
      %add3A_139 = arith.addi %mul3A_137, %add3A_138 : i32
      %mul3A_140 = arith.constant 128 : i32
      %mul3A_141 = arith.muli %add3A_139, %mul3A_140 : i32
      %add3A_142 = arith.addi %mul3A_4, %mul3A_141 : i32
      %dma_start3A_143 = arith.constant 1 : i32
      %dma_start3A_144 = arith.constant 0 : i32
      %dma_start3A_145 = arith.constant 0 : i32
      %dma_start3A_146 = tpu.memref_slice %arg6[%dma_start3A_143, %dma_start3A_144, %dma_start3A_145] : memref<4x128x128xf32, #tpu.memory_space<vmem>> -> memref<1x128x128xf32, #tpu.memory_space<vmem>>
      %dma_start3A_147 = tpu.memref_squeeze %dma_start3A_146 : memref<1x128x128xf32, #tpu.memory_space<vmem>> -> memref<128x128xf32, #tpu.memory_space<vmem>>
      %dma_start3A_148 = arith.constant 0 : i32
      %dma_start3A_149 = tpu.memref_slice %arg4[%add3A_142, %dma_start3A_148] : memref<65536x128xf32, #tpu.memory_space<hbm>> -> memref<128x128xf32, #tpu.memory_space<hbm>>
      %dma_start3A_150 = arith.constant 0 : i32
      %dma_start3A_151 = tpu.memref_slice %arg4[%add3A_142, %dma_start3A_150] : memref<65536x128xf32, #tpu.memory_space<hbm>> -> memref<128x128xf32, #tpu.memory_space<hbm>>
      %dma_start3A_152 = arith.constant 0 : i32
      %dma_start3A_153 = arith.constant 0 : i32
      %dma_start3A_154 = tpu.memref_slice %arg6[%dma_start3A_143, %dma_start3A_152, %dma_start3A_153] : memref<4x128x128xf32, #tpu.memory_space<vmem>> -> memref<1x128x128xf32, #tpu.memory_space<vmem>>
      %dma_start3A_155 = tpu.memref_squeeze %dma_start3A_154 : memref<1x128x128xf32, #tpu.memory_space<vmem>> -> memref<128x128xf32, #tpu.memory_space<vmem>>
      tpu.enqueue_dma source(%dma_start3A_155 : memref<128x128xf32, #tpu.memory_space<vmem>>) target(%dma_start3A_151 : memref<128x128xf32, #tpu.memory_space<hbm>>) target_semaphore(%arg8 : memref<!tpu.dma_semaphore, #tpu.memory_space<semaphore_mem>>)
      %mul3A_156 = arith.constant 4 : i32
      %mul3A_157 = arith.muli %add3A_13, %mul3A_156 : i32
      %add3A_158 = arith.constant 2 : i32
      %add3A_159 = arith.addi %mul3A_157, %add3A_158 : i32
      %mul3A_160 = arith.constant 128 : i32
      %mul3A_161 = arith.muli %add3A_159, %mul3A_160 : i32
      %add3A_162 = arith.addi %mul3A_4, %mul3A_161 : i32
      %dma_start3A_163 = arith.constant 2 : i32
      %dma_start3A_164 = arith.constant 0 : i32
      %dma_start3A_165 = arith.constant 0 : i32
      %dma_start3A_166 = tpu.memref_slice %arg6[%dma_start3A_163, %dma_start3A_164, %dma_start3A_165] : memref<4x128x128xf32, #tpu.memory_space<vmem>> -> memref<1x128x128xf32, #tpu.memory_space<vmem>>
      %dma_start3A_167 = tpu.memref_squeeze %dma_start3A_166 : memref<1x128x128xf32, #tpu.memory_space<vmem>> -> memref<128x128xf32, #tpu.memory_space<vmem>>
      %dma_start3A_168 = arith.constant 0 : i32
      %dma_start3A_169 = tpu.memref_slice %arg4[%add3A_162, %dma_start3A_168] : memref<65536x128xf32, #tpu.memory_space<hbm>> -> memref<128x128xf32, #tpu.memory_space<hbm>>
      %dma_start3A_170 = arith.constant 0 : i32
      %dma_start3A_171 = tpu.memref_slice %arg4[%add3A_162, %dma_start3A_170] : memref<65536x128xf32, #tpu.memory_space<hbm>> -> memref<128x128xf32, #tpu.memory_space<hbm>>
      %dma_start3A_172 = arith.constant 0 : i32
      %dma_start3A_173 = arith.constant 0 : i32
      %dma_start3A_174 = tpu.memref_slice %arg6[%dma_start3A_163, %dma_start3A_172, %dma_start3A_173] : memref<4x128x128xf32, #tpu.memory_space<vmem>> -> memref<1x128x128xf32, #tpu.memory_space<vmem>>
      %dma_start3A_175 = tpu.memref_squeeze %dma_start3A_174 : memref<1x128x128xf32, #tpu.memory_space<vmem>> -> memref<128x128xf32, #tpu.memory_space<vmem>>
      tpu.enqueue_dma source(%dma_start3A_175 : memref<128x128xf32, #tpu.memory_space<vmem>>) target(%dma_start3A_171 : memref<128x128xf32, #tpu.memory_space<hbm>>) target_semaphore(%arg8 : memref<!tpu.dma_semaphore, #tpu.memory_space<semaphore_mem>>)
      %mul3A_176 = arith.constant 4 : i32
      %mul3A_177 = arith.muli %add3A_13, %mul3A_176 : i32
      %add3A_178 = arith.constant 3 : i32
      %add3A_179 = arith.addi %mul3A_177, %add3A_178 : i32
      %mul3A_180 = arith.constant 128 : i32
      %mul3A_181 = arith.muli %add3A_179, %mul3A_180 : i32
      %add3A_182 = arith.addi %mul3A_4, %mul3A_181 : i32
      %dma_start3A_183 = arith.constant 3 : i32
      %dma_start3A_184 = arith.constant 0 : i32
      %dma_start3A_185 = arith.constant 0 : i32
      %dma_start3A_186 = tpu.memref_slice %arg6[%dma_start3A_183, %dma_start3A_184, %dma_start3A_185] : memref<4x128x128xf32, #tpu.memory_space<vmem>> -> memref<1x128x128xf32, #tpu.memory_space<vmem>>
      %dma_start3A_187 = tpu.memref_squeeze %dma_start3A_186 : memref<1x128x128xf32, #tpu.memory_space<vmem>> -> memref<128x128xf32, #tpu.memory_space<vmem>>
      %dma_start3A_188 = arith.constant 0 : i32
      %dma_start3A_189 = tpu.memref_slice %arg4[%add3A_182, %dma_start3A_188] : memref<65536x128xf32, #tpu.memory_space<hbm>> -> memref<128x128xf32, #tpu.memory_space<hbm>>
      %dma_start3A_190 = arith.constant 0 : i32
      %dma_start3A_191 = tpu.memref_slice %arg4[%add3A_182, %dma_start3A_190] : memref<65536x128xf32, #tpu.memory_space<hbm>> -> memref<128x128xf32, #tpu.memory_space<hbm>>
      %dma_start3A_192 = arith.constant 0 : i32
      %dma_start3A_193 = arith.constant 0 : i32
      %dma_start3A_194 = tpu.memref_slice %arg6[%dma_start3A_183, %dma_start3A_192, %dma_start3A_193] : memref<4x128x128xf32, #tpu.memory_space<vmem>> -> memref<1x128x128xf32, #tpu.memory_space<vmem>>
      %dma_start3A_195 = tpu.memref_squeeze %dma_start3A_194 : memref<1x128x128xf32, #tpu.memory_space<vmem>> -> memref<128x128xf32, #tpu.memory_space<vmem>>
      tpu.enqueue_dma source(%dma_start3A_195 : memref<128x128xf32, #tpu.memory_space<vmem>>) target(%dma_start3A_191 : memref<128x128xf32, #tpu.memory_space<hbm>>) target_semaphore(%arg8 : memref<!tpu.dma_semaphore, #tpu.memory_space<semaphore_mem>>)
      %dma_wait3A_196 = arith.constant 0 : i32
      %dma_wait3A_197 = arith.constant 0 : i32
      %dma_wait3A_198 = arith.constant 0 : i32
      %dma_wait3A_199 = tpu.memref_slice %arg6[%dma_wait3A_196, %dma_wait3A_197, %dma_wait3A_198] : memref<4x128x128xf32, #tpu.memory_space<vmem>> -> memref<1x128x128xf32, #tpu.memory_space<vmem>>
      %dma_wait3A_200 = tpu.memref_squeeze %dma_wait3A_199 : memref<1x128x128xf32, #tpu.memory_space<vmem>> -> memref<128x128xf32, #tpu.memory_space<vmem>>
      %dma_wait3A_201 = arith.constant 0 : i32
      %dma_wait3A_202 = tpu.memref_slice %arg4[%add3A_122, %dma_wait3A_201] : memref<65536x128xf32, #tpu.memory_space<hbm>> -> memref<128x128xf32, #tpu.memory_space<hbm>>
      %dma_wait3A_203 = arith.constant 0 : i32
      %dma_wait3A_204 = tpu.memref_slice %arg4[%add3A_122, %dma_wait3A_203] : memref<65536x128xf32, #tpu.memory_space<hbm>> -> memref<128x128xf32, #tpu.memory_space<hbm>>
      %dma_wait3A_205 = arith.constant 0 : i32
      %dma_wait3A_206 = arith.constant 0 : i32
      %dma_wait3A_207 = tpu.memref_slice %arg6[%dma_wait3A_196, %dma_wait3A_205, %dma_wait3A_206] : memref<4x128x128xf32, #tpu.memory_space<vmem>> -> memref<1x128x128xf32, #tpu.memory_space<vmem>>
      %dma_wait3A_208 = tpu.memref_squeeze %dma_wait3A_207 : memref<1x128x128xf32, #tpu.memory_space<vmem>> -> memref<128x128xf32, #tpu.memory_space<vmem>>
      tpu.wait_dma2 semaphore(%arg8 : memref<!tpu.dma_semaphore, #tpu.memory_space<semaphore_mem>>) src(%dma_wait3A_208 : memref<128x128xf32, #tpu.memory_space<vmem>>) dst(%dma_wait3A_204 : memref<128x128xf32, #tpu.memory_space<hbm>>)
      %dma_wait3A_209 = arith.constant 1 : i32
      %dma_wait3A_210 = arith.constant 0 : i32
      %dma_wait3A_211 = arith.constant 0 : i32
      %dma_wait3A_212 = tpu.memref_slice %arg6[%dma_wait3A_209, %dma_wait3A_210, %dma_wait3A_211] : memref<4x128x128xf32, #tpu.memory_space<vmem>> -> memref<1x128x128xf32, #tpu.memory_space<vmem>>
      %dma_wait3A_213 = tpu.memref_squeeze %dma_wait3A_212 : memref<1x128x128xf32, #tpu.memory_space<vmem>> -> memref<128x128xf32, #tpu.memory_space<vmem>>
      %dma_wait3A_214 = arith.constant 0 : i32
      %dma_wait3A_215 = tpu.memref_slice %arg4[%add3A_142, %dma_wait3A_214] : memref<65536x128xf32, #tpu.memory_space<hbm>> -> memref<128x128xf32, #tpu.memory_space<hbm>>
      %dma_wait3A_216 = arith.constant 0 : i32
      %dma_wait3A_217 = tpu.memref_slice %arg4[%add3A_142, %dma_wait3A_216] : memref<65536x128xf32, #tpu.memory_space<hbm>> -> memref<128x128xf32, #tpu.memory_space<hbm>>
      %dma_wait3A_218 = arith.constant 0 : i32
      %dma_wait3A_219 = arith.constant 0 : i32
      %dma_wait3A_220 = tpu.memref_slice %arg6[%dma_wait3A_209, %dma_wait3A_218, %dma_wait3A_219] : memref<4x128x128xf32, #tpu.memory_space<vmem>> -> memref<1x128x128xf32, #tpu.memory_space<vmem>>
      %dma_wait3A_221 = tpu.memref_squeeze %dma_wait3A_220 : memref<1x128x128xf32, #tpu.memory_space<vmem>> -> memref<128x128xf32, #tpu.memory_space<vmem>>
      tpu.wait_dma2 semaphore(%arg8 : memref<!tpu.dma_semaphore, #tpu.memory_space<semaphore_mem>>) src(%dma_wait3A_221 : memref<128x128xf32, #tpu.memory_space<vmem>>) dst(%dma_wait3A_217 : memref<128x128xf32, #tpu.memory_space<hbm>>)
      %dma_wait3A_222 = arith.constant 2 : i32
      %dma_wait3A_223 = arith.constant 0 : i32
      %dma_wait3A_224 = arith.constant 0 : i32
      %dma_wait3A_225 = tpu.memref_slice %arg6[%dma_wait3A_222, %dma_wait3A_223, %dma_wait3A_224] : memref<4x128x128xf32, #tpu.memory_space<vmem>> -> memref<1x128x128xf32, #tpu.memory_space<vmem>>
      %dma_wait3A_226 = tpu.memref_squeeze %dma_wait3A_225 : memref<1x128x128xf32, #tpu.memory_space<vmem>> -> memref<128x128xf32, #tpu.memory_space<vmem>>
      %dma_wait3A_227 = arith.constant 0 : i32
      %dma_wait3A_228 = tpu.memref_slice %arg4[%add3A_162, %dma_wait3A_227] : memref<65536x128xf32, #tpu.memory_space<hbm>> -> memref<128x128xf32, #tpu.memory_space<hbm>>
      %dma_wait3A_229 = arith.constant 0 : i32
      %dma_wait3A_230 = tpu.memref_slice %arg4[%add3A_162, %dma_wait3A_229] : memref<65536x128xf32, #tpu.memory_space<hbm>> -> memref<128x128xf32, #tpu.memory_space<hbm>>
      %dma_wait3A_231 = arith.constant 0 : i32
      %dma_wait3A_232 = arith.constant 0 : i32
      %dma_wait3A_233 = tpu.memref_slice %arg6[%dma_wait3A_222, %dma_wait3A_231, %dma_wait3A_232] : memref<4x128x128xf32, #tpu.memory_space<vmem>> -> memref<1x128x128xf32, #tpu.memory_space<vmem>>
      %dma_wait3A_234 = tpu.memref_squeeze %dma_wait3A_233 : memref<1x128x128xf32, #tpu.memory_space<vmem>> -> memref<128x128xf32, #tpu.memory_space<vmem>>
      tpu.wait_dma2 semaphore(%arg8 : memref<!tpu.dma_semaphore, #tpu.memory_space<semaphore_mem>>) src(%dma_wait3A_234 : memref<128x128xf32, #tpu.memory_space<vmem>>) dst(%dma_wait3A_230 : memref<128x128xf32, #tpu.memory_space<hbm>>)
      %dma_wait3A_235 = arith.constant 3 : i32
      %dma_wait3A_236 = arith.constant 0 : i32
      %dma_wait3A_237 = arith.constant 0 : i32
      %dma_wait3A_238 = tpu.memref_slice %arg6[%dma_wait3A_235, %dma_wait3A_236, %dma_wait3A_237] : memref<4x128x128xf32, #tpu.memory_space<vmem>> -> memref<1x128x128xf32, #tpu.memory_space<vmem>>
      %dma_wait3A_239 = tpu.memref_squeeze %dma_wait3A_238 : memref<1x128x128xf32, #tpu.memory_space<vmem>> -> memref<128x128xf32, #tpu.memory_space<vmem>>
      %dma_wait3A_240 = arith.constant 0 : i32
      %dma_wait3A_241 = tpu.memref_slice %arg4[%add3A_182, %dma_wait3A_240] : memref<65536x128xf32, #tpu.memory_space<hbm>> -> memref<128x128xf32, #tpu.memory_space<hbm>>
      %dma_wait3A_242 = arith.constant 0 : i32
      %dma_wait3A_243 = tpu.memref_slice %arg4[%add3A_182, %dma_wait3A_242] : memref<65536x128xf32, #tpu.memory_space<hbm>> -> memref<128x128xf32, #tpu.memory_space<hbm>>
      %dma_wait3A_244 = arith.constant 0 : i32
      %dma_wait3A_245 = arith.constant 0 : i32
      %dma_wait3A_246 = tpu.memref_slice %arg6[%dma_wait3A_235, %dma_wait3A_244, %dma_wait3A_245] : memref<4x128x128xf32, #tpu.memory_space<vmem>> -> memref<1x128x128xf32, #tpu.memory_space<vmem>>
      %dma_wait3A_247 = tpu.memref_squeeze %dma_wait3A_246 : memref<1x128x128xf32, #tpu.memory_space<vmem>> -> memref<128x128xf32, #tpu.memory_space<vmem>>
      tpu.wait_dma2 semaphore(%arg8 : memref<!tpu.dma_semaphore, #tpu.memory_space<semaphore_mem>>) src(%dma_wait3A_247 : memref<128x128xf32, #tpu.memory_space<vmem>>) dst(%dma_wait3A_243 : memref<128x128xf32, #tpu.memory_space<hbm>>)
    }
    %scan3A_8 = arith.constant 4 : i32
    return
  }
}

#map = affine_map<(d0, d1) -> (0, 0)>
module attributes {stable_mosaic.version = 14 : i64} {
  func.func @gk(%arg0: i32, %arg1: i32, %arg2: memref<512x128xi32, #tpu.memory_space<hbm>>, %arg3: memref<4096x128xf32, #tpu.memory_space<hbm>>, %arg4: memref<65536x128xf32, #tpu.memory_space<hbm>>, %arg5: memref<16x128xi32, #tpu.memory_space<vmem>>, %arg6: memref<4x128x128xf32, #tpu.memory_space<vmem>>, %arg7: memref<!tpu.dma_semaphore, #tpu.memory_space<semaphore_mem>>, %arg8: memref<!tpu.dma_semaphore, #tpu.memory_space<semaphore_mem>>) attributes {dimension_semantics = [#tpu.dimension_semantics<core_parallel>, #tpu.dimension_semantics<subcore_parallel>], iteration_bounds = array<i64: 2, 16>, scalar_prefetch = 0 : i64, scratch_operands = 4 : i64, tpu.core_type = #tpu.core_type<sc_vector_subcore>, window_params = [{transform_indices = #map}, {transform_indices = #map}, {transform_indices = #map}]} {
    %mul3A = arith.constant 2 : i32
    %mul3A_0 = arith.muli %arg1, %mul3A : i32
    %add3A = arith.addi %mul3A_0, %arg0 : i32
    %mul3A_1 = arith.constant 16 : i32
    %mul3A_2 = arith.muli %add3A, %mul3A_1 : i32
    "tpu.region"() ({
      %run_scoped3A = tpu.sem_alloc : memref<!tpu.dma_semaphore, #tpu.memory_space<semaphore_mem>>
      %dma_start3A = arith.constant 0 : i32
      %dma_start3A_9 = tpu.memref_slice %arg2[%mul3A_2, %dma_start3A] : memref<512x128xi32, #tpu.memory_space<hbm>> -> memref<16x128xi32, #tpu.memory_space<hbm>>
      %dma_start3A_10 = arith.constant 0 : i32
      %dma_start3A_11 = tpu.memref_slice %arg2[%mul3A_2, %dma_start3A_10] : memref<512x128xi32, #tpu.memory_space<hbm>> -> memref<16x128xi32, #tpu.memory_space<hbm>>
      tpu.enqueue_dma source(%dma_start3A_11 : memref<16x128xi32, #tpu.memory_space<hbm>>) target(%arg5 : memref<16x128xi32, #tpu.memory_space<vmem>>) target_semaphore(%run_scoped3A : memref<!tpu.dma_semaphore, #tpu.memory_space<semaphore_mem>>)
      %dma_wait3A = arith.constant 0 : i32
      %dma_wait3A_12 = tpu.memref_slice %arg2[%mul3A_2, %dma_wait3A] : memref<512x128xi32, #tpu.memory_space<hbm>> -> memref<16x128xi32, #tpu.memory_space<hbm>>
      %dma_wait3A_13 = arith.constant 0 : i32
      %dma_wait3A_14 = tpu.memref_slice %arg2[%mul3A_2, %dma_wait3A_13] : memref<512x128xi32, #tpu.memory_space<hbm>> -> memref<16x128xi32, #tpu.memory_space<hbm>>
      tpu.wait_dma2 semaphore(%run_scoped3A : memref<!tpu.dma_semaphore, #tpu.memory_space<semaphore_mem>>) src(%dma_wait3A_14 : memref<16x128xi32, #tpu.memory_space<hbm>>) dst(%arg5 : memref<16x128xi32, #tpu.memory_space<vmem>>)
      tpu.yield
    }) : () -> ()
    %mul3A_3 = arith.constant 2048 : i32
    %mul3A_4 = arith.muli %add3A, %mul3A_3 : i32
    %scan3A = arith.constant 0 : i32
    %scan3A_5 = arith.constant 4 : i32
    %scan3A_6 = arith.addi %scan3A, %scan3A_5 : i32
    %scan3A_7 = arith.constant 1 : i32
    scf.for %scan3A_9 = %scan3A to %scan3A_6 step %scan3A_7  : i32 {
      %mul3A_10 = arith.constant 1 : i32
      %mul3A_11 = arith.muli %scan3A_9, %mul3A_10 : i32
      %add3A_12 = arith.constant 0 : i32
      %add3A_13 = arith.addi %add3A_12, %mul3A_11 : i32
      %mul3A_14 = arith.constant 4 : i32
      %mul3A_15 = arith.muli %add3A_13, %mul3A_14 : i32
      %add3A_16 = arith.constant 0 : i32
      %add3A_17 = arith.addi %mul3A_15, %add3A_16 : i32
      %dma_start3A = arith.constant 0 : i32
      %dma_start3A_18 = arith.constant 0 : i32
      %dma_start3A_19 = arith.constant 0 : i32
      %dma_start3A_20 = tpu.memref_slice %arg6[%dma_start3A, %dma_start3A_18, %dma_start3A_19] : memref<4x128x128xf32, #tpu.memory_space<vmem>> -> memref<1x128x128xf32, #tpu.memory_space<vmem>>
      %dma_start3A_21 = tpu.memref_squeeze %dma_start3A_20 : memref<1x128x128xf32, #tpu.memory_space<vmem>> -> memref<128x128xf32, #tpu.memory_space<vmem>>
      %dma_start3A_22 = arith.constant 0 : i32
      %dma_start3A_23 = tpu.memref_slice %arg5[%add3A_17, %dma_start3A_22] : memref<16x128xi32, #tpu.memory_space<vmem>> -> memref<1x128xi32, #tpu.memory_space<vmem>>
      %dma_start3A_24 = tpu.memref_squeeze %dma_start3A_23 : memref<1x128xi32, #tpu.memory_space<vmem>> -> memref<128xi32, #tpu.memory_space<vmem>>
      %dma_start3A_25 = arith.constant 0 : i32
      %dma_start3A_26 = arith.constant 0 : i32
      %dma_start3A_27 = tpu.memref_slice %arg3[%dma_start3A_25, %dma_start3A_26] : memref<4096x128xf32, #tpu.memory_space<hbm>> -> memref<4096x128xf32, #tpu.memory_space<hbm>>
      tpu.enqueue_indirect_dma source(%dma_start3A_27 : memref<4096x128xf32, #tpu.memory_space<hbm>>) target(%dma_start3A_21 : memref<128x128xf32, #tpu.memory_space<vmem>>) offsets(%dma_start3A_24 : memref<128xi32, #tpu.memory_space<vmem>>) semaphore(%arg7 : memref<!tpu.dma_semaphore, #tpu.memory_space<semaphore_mem>>)
      %mul3A_28 = arith.constant 4 : i32
      %mul3A_29 = arith.muli %add3A_13, %mul3A_28 : i32
      %add3A_30 = arith.constant 1 : i32
      %add3A_31 = arith.addi %mul3A_29, %add3A_30 : i32
      %dma_start3A_32 = arith.constant 1 : i32
      %dma_start3A_33 = arith.constant 0 : i32
      %dma_start3A_34 = arith.constant 0 : i32
      %dma_start3A_35 = tpu.memref_slice %arg6[%dma_start3A_32, %dma_start3A_33, %dma_start3A_34] : memref<4x128x128xf32, #tpu.memory_space<vmem>> -> memref<1x128x128xf32, #tpu.memory_space<vmem>>
      %dma_start3A_36 = tpu.memref_squeeze %dma_start3A_35 : memref<1x128x128xf32, #tpu.memory_space<vmem>> -> memref<128x128xf32, #tpu.memory_space<vmem>>
      %dma_start3A_37 = arith.constant 0 : i32
      %dma_start3A_38 = tpu.memref_slice %arg5[%add3A_31, %dma_start3A_37] : memref<16x128xi32, #tpu.memory_space<vmem>> -> memref<1x128xi32, #tpu.memory_space<vmem>>
      %dma_start3A_39 = tpu.memref_squeeze %dma_start3A_38 : memref<1x128xi32, #tpu.memory_space<vmem>> -> memref<128xi32, #tpu.memory_space<vmem>>
      %dma_start3A_40 = arith.constant 0 : i32
      %dma_start3A_41 = arith.constant 0 : i32
      %dma_start3A_42 = tpu.memref_slice %arg3[%dma_start3A_40, %dma_start3A_41] : memref<4096x128xf32, #tpu.memory_space<hbm>> -> memref<4096x128xf32, #tpu.memory_space<hbm>>
      tpu.enqueue_indirect_dma source(%dma_start3A_42 : memref<4096x128xf32, #tpu.memory_space<hbm>>) target(%dma_start3A_36 : memref<128x128xf32, #tpu.memory_space<vmem>>) offsets(%dma_start3A_39 : memref<128xi32, #tpu.memory_space<vmem>>) semaphore(%arg7 : memref<!tpu.dma_semaphore, #tpu.memory_space<semaphore_mem>>)
      %mul3A_43 = arith.constant 4 : i32
      %mul3A_44 = arith.muli %add3A_13, %mul3A_43 : i32
      %add3A_45 = arith.constant 2 : i32
      %add3A_46 = arith.addi %mul3A_44, %add3A_45 : i32
      %dma_start3A_47 = arith.constant 2 : i32
      %dma_start3A_48 = arith.constant 0 : i32
      %dma_start3A_49 = arith.constant 0 : i32
      %dma_start3A_50 = tpu.memref_slice %arg6[%dma_start3A_47, %dma_start3A_48, %dma_start3A_49] : memref<4x128x128xf32, #tpu.memory_space<vmem>> -> memref<1x128x128xf32, #tpu.memory_space<vmem>>
      %dma_start3A_51 = tpu.memref_squeeze %dma_start3A_50 : memref<1x128x128xf32, #tpu.memory_space<vmem>> -> memref<128x128xf32, #tpu.memory_space<vmem>>
      %dma_start3A_52 = arith.constant 0 : i32
      %dma_start3A_53 = tpu.memref_slice %arg5[%add3A_46, %dma_start3A_52] : memref<16x128xi32, #tpu.memory_space<vmem>> -> memref<1x128xi32, #tpu.memory_space<vmem>>
      %dma_start3A_54 = tpu.memref_squeeze %dma_start3A_53 : memref<1x128xi32, #tpu.memory_space<vmem>> -> memref<128xi32, #tpu.memory_space<vmem>>
      %dma_start3A_55 = arith.constant 0 : i32
      %dma_start3A_56 = arith.constant 0 : i32
      %dma_start3A_57 = tpu.memref_slice %arg3[%dma_start3A_55, %dma_start3A_56] : memref<4096x128xf32, #tpu.memory_space<hbm>> -> memref<4096x128xf32, #tpu.memory_space<hbm>>
      tpu.enqueue_indirect_dma source(%dma_start3A_57 : memref<4096x128xf32, #tpu.memory_space<hbm>>) target(%dma_start3A_51 : memref<128x128xf32, #tpu.memory_space<vmem>>) offsets(%dma_start3A_54 : memref<128xi32, #tpu.memory_space<vmem>>) semaphore(%arg7 : memref<!tpu.dma_semaphore, #tpu.memory_space<semaphore_mem>>)
      %mul3A_58 = arith.constant 4 : i32
      %mul3A_59 = arith.muli %add3A_13, %mul3A_58 : i32
      %add3A_60 = arith.constant 3 : i32
      %add3A_61 = arith.addi %mul3A_59, %add3A_60 : i32
      %dma_start3A_62 = arith.constant 3 : i32
      %dma_start3A_63 = arith.constant 0 : i32
      %dma_start3A_64 = arith.constant 0 : i32
      %dma_start3A_65 = tpu.memref_slice %arg6[%dma_start3A_62, %dma_start3A_63, %dma_start3A_64] : memref<4x128x128xf32, #tpu.memory_space<vmem>> -> memref<1x128x128xf32, #tpu.memory_space<vmem>>
      %dma_start3A_66 = tpu.memref_squeeze %dma_start3A_65 : memref<1x128x128xf32, #tpu.memory_space<vmem>> -> memref<128x128xf32, #tpu.memory_space<vmem>>
      %dma_start3A_67 = arith.constant 0 : i32
      %dma_start3A_68 = tpu.memref_slice %arg5[%add3A_61, %dma_start3A_67] : memref<16x128xi32, #tpu.memory_space<vmem>> -> memref<1x128xi32, #tpu.memory_space<vmem>>
      %dma_start3A_69 = tpu.memref_squeeze %dma_start3A_68 : memref<1x128xi32, #tpu.memory_space<vmem>> -> memref<128xi32, #tpu.memory_space<vmem>>
      %dma_start3A_70 = arith.constant 0 : i32
      %dma_start3A_71 = arith.constant 0 : i32
      %dma_start3A_72 = tpu.memref_slice %arg3[%dma_start3A_70, %dma_start3A_71] : memref<4096x128xf32, #tpu.memory_space<hbm>> -> memref<4096x128xf32, #tpu.memory_space<hbm>>
      tpu.enqueue_indirect_dma source(%dma_start3A_72 : memref<4096x128xf32, #tpu.memory_space<hbm>>) target(%dma_start3A_66 : memref<128x128xf32, #tpu.memory_space<vmem>>) offsets(%dma_start3A_69 : memref<128xi32, #tpu.memory_space<vmem>>) semaphore(%arg7 : memref<!tpu.dma_semaphore, #tpu.memory_space<semaphore_mem>>)
      %dma_wait3A = arith.constant 0 : i32
      %dma_wait3A_73 = arith.constant 0 : i32
      %dma_wait3A_74 = arith.constant 0 : i32
      %dma_wait3A_75 = tpu.memref_slice %arg6[%dma_wait3A, %dma_wait3A_73, %dma_wait3A_74] : memref<4x128x128xf32, #tpu.memory_space<vmem>> -> memref<1x128x128xf32, #tpu.memory_space<vmem>>
      %dma_wait3A_76 = tpu.memref_squeeze %dma_wait3A_75 : memref<1x128x128xf32, #tpu.memory_space<vmem>> -> memref<128x128xf32, #tpu.memory_space<vmem>>
      %dma_wait3A_77 = arith.constant 0 : i32
      %dma_wait3A_78 = tpu.memref_slice %arg5[%add3A_17, %dma_wait3A_77] : memref<16x128xi32, #tpu.memory_space<vmem>> -> memref<1x128xi32, #tpu.memory_space<vmem>>
      %dma_wait3A_79 = tpu.memref_squeeze %dma_wait3A_78 : memref<1x128xi32, #tpu.memory_space<vmem>> -> memref<128xi32, #tpu.memory_space<vmem>>
      %dma_wait3A_80 = arith.constant 0 : i32
      %dma_wait3A_81 = arith.constant 0 : i32
      %dma_wait3A_82 = tpu.memref_slice %arg3[%dma_wait3A_80, %dma_wait3A_81] : memref<4096x128xf32, #tpu.memory_space<hbm>> -> memref<4096x128xf32, #tpu.memory_space<hbm>>
      tpu.wait_indirect_dma semaphore(%arg7 : memref<!tpu.dma_semaphore, #tpu.memory_space<semaphore_mem>>) src(%dma_wait3A_82 : memref<4096x128xf32, #tpu.memory_space<hbm>>) dst(%dma_wait3A_76 : memref<128x128xf32, #tpu.memory_space<vmem>>)
      %dma_wait3A_83 = arith.constant 1 : i32
      %dma_wait3A_84 = arith.constant 0 : i32
      %dma_wait3A_85 = arith.constant 0 : i32
      %dma_wait3A_86 = tpu.memref_slice %arg6[%dma_wait3A_83, %dma_wait3A_84, %dma_wait3A_85] : memref<4x128x128xf32, #tpu.memory_space<vmem>> -> memref<1x128x128xf32, #tpu.memory_space<vmem>>
      %dma_wait3A_87 = tpu.memref_squeeze %dma_wait3A_86 : memref<1x128x128xf32, #tpu.memory_space<vmem>> -> memref<128x128xf32, #tpu.memory_space<vmem>>
      %dma_wait3A_88 = arith.constant 0 : i32
      %dma_wait3A_89 = tpu.memref_slice %arg5[%add3A_31, %dma_wait3A_88] : memref<16x128xi32, #tpu.memory_space<vmem>> -> memref<1x128xi32, #tpu.memory_space<vmem>>
      %dma_wait3A_90 = tpu.memref_squeeze %dma_wait3A_89 : memref<1x128xi32, #tpu.memory_space<vmem>> -> memref<128xi32, #tpu.memory_space<vmem>>
      %dma_wait3A_91 = arith.constant 0 : i32
      %dma_wait3A_92 = arith.constant 0 : i32
      %dma_wait3A_93 = tpu.memref_slice %arg3[%dma_wait3A_91, %dma_wait3A_92] : memref<4096x128xf32, #tpu.memory_space<hbm>> -> memref<4096x128xf32, #tpu.memory_space<hbm>>
      tpu.wait_indirect_dma semaphore(%arg7 : memref<!tpu.dma_semaphore, #tpu.memory_space<semaphore_mem>>) src(%dma_wait3A_93 : memref<4096x128xf32, #tpu.memory_space<hbm>>) dst(%dma_wait3A_87 : memref<128x128xf32, #tpu.memory_space<vmem>>)
      %dma_wait3A_94 = arith.constant 2 : i32
      %dma_wait3A_95 = arith.constant 0 : i32
      %dma_wait3A_96 = arith.constant 0 : i32
      %dma_wait3A_97 = tpu.memref_slice %arg6[%dma_wait3A_94, %dma_wait3A_95, %dma_wait3A_96] : memref<4x128x128xf32, #tpu.memory_space<vmem>> -> memref<1x128x128xf32, #tpu.memory_space<vmem>>
      %dma_wait3A_98 = tpu.memref_squeeze %dma_wait3A_97 : memref<1x128x128xf32, #tpu.memory_space<vmem>> -> memref<128x128xf32, #tpu.memory_space<vmem>>
      %dma_wait3A_99 = arith.constant 0 : i32
      %dma_wait3A_100 = tpu.memref_slice %arg5[%add3A_46, %dma_wait3A_99] : memref<16x128xi32, #tpu.memory_space<vmem>> -> memref<1x128xi32, #tpu.memory_space<vmem>>
      %dma_wait3A_101 = tpu.memref_squeeze %dma_wait3A_100 : memref<1x128xi32, #tpu.memory_space<vmem>> -> memref<128xi32, #tpu.memory_space<vmem>>
      %dma_wait3A_102 = arith.constant 0 : i32
      %dma_wait3A_103 = arith.constant 0 : i32
      %dma_wait3A_104 = tpu.memref_slice %arg3[%dma_wait3A_102, %dma_wait3A_103] : memref<4096x128xf32, #tpu.memory_space<hbm>> -> memref<4096x128xf32, #tpu.memory_space<hbm>>
      tpu.wait_indirect_dma semaphore(%arg7 : memref<!tpu.dma_semaphore, #tpu.memory_space<semaphore_mem>>) src(%dma_wait3A_104 : memref<4096x128xf32, #tpu.memory_space<hbm>>) dst(%dma_wait3A_98 : memref<128x128xf32, #tpu.memory_space<vmem>>)
      %dma_wait3A_105 = arith.constant 3 : i32
      %dma_wait3A_106 = arith.constant 0 : i32
      %dma_wait3A_107 = arith.constant 0 : i32
      %dma_wait3A_108 = tpu.memref_slice %arg6[%dma_wait3A_105, %dma_wait3A_106, %dma_wait3A_107] : memref<4x128x128xf32, #tpu.memory_space<vmem>> -> memref<1x128x128xf32, #tpu.memory_space<vmem>>
      %dma_wait3A_109 = tpu.memref_squeeze %dma_wait3A_108 : memref<1x128x128xf32, #tpu.memory_space<vmem>> -> memref<128x128xf32, #tpu.memory_space<vmem>>
      %dma_wait3A_110 = arith.constant 0 : i32
      %dma_wait3A_111 = tpu.memref_slice %arg5[%add3A_61, %dma_wait3A_110] : memref<16x128xi32, #tpu.memory_space<vmem>> -> memref<1x128xi32, #tpu.memory_space<vmem>>
      %dma_wait3A_112 = tpu.memref_squeeze %dma_wait3A_111 : memref<1x128xi32, #tpu.memory_space<vmem>> -> memref<128xi32, #tpu.memory_space<vmem>>
      %dma_wait3A_113 = arith.constant 0 : i32
      %dma_wait3A_114 = arith.constant 0 : i32
      %dma_wait3A_115 = tpu.memref_slice %arg3[%dma_wait3A_113, %dma_wait3A_114] : memref<4096x128xf32, #tpu.memory_space<hbm>> -> memref<4096x128xf32, #tpu.memory_space<hbm>>
      tpu.wait_indirect_dma semaphore(%arg7 : memref<!tpu.dma_semaphore, #tpu.memory_space<semaphore_mem>>) src(%dma_wait3A_115 : memref<4096x128xf32, #tpu.memory_space<hbm>>) dst(%dma_wait3A_109 : memref<128x128xf32, #tpu.memory_space<vmem>>)
      %mul3A_116 = arith.constant 4 : i32
      %mul3A_117 = arith.muli %add3A_13, %mul3A_116 : i32
      %add3A_118 = arith.constant 0 : i32
      %add3A_119 = arith.addi %mul3A_117, %add3A_118 : i32
      %mul3A_120 = arith.constant 128 : i32
      %mul3A_121 = arith.muli %add3A_119, %mul3A_120 : i32
      %add3A_122 = arith.addi %mul3A_4, %mul3A_121 : i32
      %dma_start3A_123 = arith.constant 0 : i32
      %dma_start3A_124 = arith.constant 0 : i32
      %dma_start3A_125 = arith.constant 0 : i32
      %dma_start3A_126 = tpu.memref_slice %arg6[%dma_start3A_123, %dma_start3A_124, %dma_start3A_125] : memref<4x128x128xf32, #tpu.memory_space<vmem>> -> memref<1x128x128xf32, #tpu.memory_space<vmem>>
      %dma_start3A_127 = tpu.memref_squeeze %dma_start3A_126 : memref<1x128x128xf32, #tpu.memory_space<vmem>> -> memref<128x128xf32, #tpu.memory_space<vmem>>
      %dma_start3A_128 = arith.constant 0 : i32
      %dma_start3A_129 = tpu.memref_slice %arg4[%add3A_122, %dma_start3A_128] : memref<65536x128xf32, #tpu.memory_space<hbm>> -> memref<128x128xf32, #tpu.memory_space<hbm>>
      %dma_start3A_130 = arith.constant 0 : i32
      %dma_start3A_131 = tpu.memref_slice %arg4[%add3A_122, %dma_start3A_130] : memref<65536x128xf32, #tpu.memory_space<hbm>> -> memref<128x128xf32, #tpu.memory_space<hbm>>
      %dma_start3A_132 = arith.constant 0 : i32
      %dma_start3A_133 = arith.constant 0 : i32
      %dma_start3A_134 = tpu.memref_slice %arg6[%dma_start3A_123, %dma_start3A_132, %dma_start3A_133] : memref<4x128x128xf32, #tpu.memory_space<vmem>> -> memref<1x128x128xf32, #tpu.memory_space<vmem>>
      %dma_start3A_135 = tpu.memref_squeeze %dma_start3A_134 : memref<1x128x128xf32, #tpu.memory_space<vmem>> -> memref<128x128xf32, #tpu.memory_space<vmem>>
      tpu.enqueue_dma source(%dma_start3A_135 : memref<128x128xf32, #tpu.memory_space<vmem>>) target(%dma_start3A_131 : memref<128x128xf32, #tpu.memory_space<hbm>>) target_semaphore(%arg8 : memref<!tpu.dma_semaphore, #tpu.memory_space<semaphore_mem>>)
      %mul3A_136 = arith.constant 4 : i32
      %mul3A_137 = arith.muli %add3A_13, %mul3A_136 : i32
      %add3A_138 = arith.constant 1 : i32
      %add3A_139 = arith.addi %mul3A_137, %add3A_138 : i32
      %mul3A_140 = arith.constant 128 : i32
      %mul3A_141 = arith.muli %add3A_139, %mul3A_140 : i32
      %add3A_142 = arith.addi %mul3A_4, %mul3A_141 : i32
      %dma_start3A_143 = arith.constant 1 : i32
      %dma_start3A_144 = arith.constant 0 : i32
      %dma_start3A_145 = arith.constant 0 : i32
      %dma_start3A_146 = tpu.memref_slice %arg6[%dma_start3A_143, %dma_start3A_144, %dma_start3A_145] : memref<4x128x128xf32, #tpu.memory_space<vmem>> -> memref<1x128x128xf32, #tpu.memory_space<vmem>>
      %dma_start3A_147 = tpu.memref_squeeze %dma_start3A_146 : memref<1x128x128xf32, #tpu.memory_space<vmem>> -> memref<128x128xf32, #tpu.memory_space<vmem>>
      %dma_start3A_148 = arith.constant 0 : i32
      %dma_start3A_149 = tpu.memref_slice %arg4[%add3A_142, %dma_start3A_148] : memref<65536x128xf32, #tpu.memory_space<hbm>> -> memref<128x128xf32, #tpu.memory_space<hbm>>
      %dma_start3A_150 = arith.constant 0 : i32
      %dma_start3A_151 = tpu.memref_slice %arg4[%add3A_142, %dma_start3A_150] : memref<65536x128xf32, #tpu.memory_space<hbm>> -> memref<128x128xf32, #tpu.memory_space<hbm>>
      %dma_start3A_152 = arith.constant 0 : i32
      %dma_start3A_153 = arith.constant 0 : i32
      %dma_start3A_154 = tpu.memref_slice %arg6[%dma_start3A_143, %dma_start3A_152, %dma_start3A_153] : memref<4x128x128xf32, #tpu.memory_space<vmem>> -> memref<1x128x128xf32, #tpu.memory_space<vmem>>
      %dma_start3A_155 = tpu.memref_squeeze %dma_start3A_154 : memref<1x128x128xf32, #tpu.memory_space<vmem>> -> memref<128x128xf32, #tpu.memory_space<vmem>>
      tpu.enqueue_dma source(%dma_start3A_155 : memref<128x128xf32, #tpu.memory_space<vmem>>) target(%dma_start3A_151 : memref<128x128xf32, #tpu.memory_space<hbm>>) target_semaphore(%arg8 : memref<!tpu.dma_semaphore, #tpu.memory_space<semaphore_mem>>)
      %mul3A_156 = arith.constant 4 : i32
      %mul3A_157 = arith.muli %add3A_13, %mul3A_156 : i32
      %add3A_158 = arith.constant 2 : i32
      %add3A_159 = arith.addi %mul3A_157, %add3A_158 : i32
      %mul3A_160 = arith.constant 128 : i32
      %mul3A_161 = arith.muli %add3A_159, %mul3A_160 : i32
      %add3A_162 = arith.addi %mul3A_4, %mul3A_161 : i32
      %dma_start3A_163 = arith.constant 2 : i32
      %dma_start3A_164 = arith.constant 0 : i32
      %dma_start3A_165 = arith.constant 0 : i32
      %dma_start3A_166 = tpu.memref_slice %arg6[%dma_start3A_163, %dma_start3A_164, %dma_start3A_165] : memref<4x128x128xf32, #tpu.memory_space<vmem>> -> memref<1x128x128xf32, #tpu.memory_space<vmem>>
      %dma_start3A_167 = tpu.memref_squeeze %dma_start3A_166 : memref<1x128x128xf32, #tpu.memory_space<vmem>> -> memref<128x128xf32, #tpu.memory_space<vmem>>
      %dma_start3A_168 = arith.constant 0 : i32
      %dma_start3A_169 = tpu.memref_slice %arg4[%add3A_162, %dma_start3A_168] : memref<65536x128xf32, #tpu.memory_space<hbm>> -> memref<128x128xf32, #tpu.memory_space<hbm>>
      %dma_start3A_170 = arith.constant 0 : i32
      %dma_start3A_171 = tpu.memref_slice %arg4[%add3A_162, %dma_start3A_170] : memref<65536x128xf32, #tpu.memory_space<hbm>> -> memref<128x128xf32, #tpu.memory_space<hbm>>
      %dma_start3A_172 = arith.constant 0 : i32
      %dma_start3A_173 = arith.constant 0 : i32
      %dma_start3A_174 = tpu.memref_slice %arg6[%dma_start3A_163, %dma_start3A_172, %dma_start3A_173] : memref<4x128x128xf32, #tpu.memory_space<vmem>> -> memref<1x128x128xf32, #tpu.memory_space<vmem>>
      %dma_start3A_175 = tpu.memref_squeeze %dma_start3A_174 : memref<1x128x128xf32, #tpu.memory_space<vmem>> -> memref<128x128xf32, #tpu.memory_space<vmem>>
      tpu.enqueue_dma source(%dma_start3A_175 : memref<128x128xf32, #tpu.memory_space<vmem>>) target(%dma_start3A_171 : memref<128x128xf32, #tpu.memory_space<hbm>>) target_semaphore(%arg8 : memref<!tpu.dma_semaphore, #tpu.memory_space<semaphore_mem>>)
      %mul3A_176 = arith.constant 4 : i32
      %mul3A_177 = arith.muli %add3A_13, %mul3A_176 : i32
      %add3A_178 = arith.constant 3 : i32
      %add3A_179 = arith.addi %mul3A_177, %add3A_178 : i32
      %mul3A_180 = arith.constant 128 : i32
      %mul3A_181 = arith.muli %add3A_179, %mul3A_180 : i32
      %add3A_182 = arith.addi %mul3A_4, %mul3A_181 : i32
      %dma_start3A_183 = arith.constant 3 : i32
      %dma_start3A_184 = arith.constant 0 : i32
      %dma_start3A_185 = arith.constant 0 : i32
      %dma_start3A_186 = tpu.memref_slice %arg6[%dma_start3A_183, %dma_start3A_184, %dma_start3A_185] : memref<4x128x128xf32, #tpu.memory_space<vmem>> -> memref<1x128x128xf32, #tpu.memory_space<vmem>>
      %dma_start3A_187 = tpu.memref_squeeze %dma_start3A_186 : memref<1x128x128xf32, #tpu.memory_space<vmem>> -> memref<128x128xf32, #tpu.memory_space<vmem>>
      %dma_start3A_188 = arith.constant 0 : i32
      %dma_start3A_189 = tpu.memref_slice %arg4[%add3A_182, %dma_start3A_188] : memref<65536x128xf32, #tpu.memory_space<hbm>> -> memref<128x128xf32, #tpu.memory_space<hbm>>
      %dma_start3A_190 = arith.constant 0 : i32
      %dma_start3A_191 = tpu.memref_slice %arg4[%add3A_182, %dma_start3A_190] : memref<65536x128xf32, #tpu.memory_space<hbm>> -> memref<128x128xf32, #tpu.memory_space<hbm>>
      %dma_start3A_192 = arith.constant 0 : i32
      %dma_start3A_193 = arith.constant 0 : i32
      %dma_start3A_194 = tpu.memref_slice %arg6[%dma_start3A_183, %dma_start3A_192, %dma_start3A_193] : memref<4x128x128xf32, #tpu.memory_space<vmem>> -> memref<1x128x128xf32, #tpu.memory_space<vmem>>
      %dma_start3A_195 = tpu.memref_squeeze %dma_start3A_194 : memref<1x128x128xf32, #tpu.memory_space<vmem>> -> memref<128x128xf32, #tpu.memory_space<vmem>>
      tpu.enqueue_dma source(%dma_start3A_195 : memref<128x128xf32, #tpu.memory_space<vmem>>) target(%dma_start3A_191 : memref<128x128xf32, #tpu.memory_space<hbm>>) target_semaphore(%arg8 : memref<!tpu.dma_semaphore, #tpu.memory_space<semaphore_mem>>)
      %dma_wait3A_196 = arith.constant 0 : i32
      %dma_wait3A_197 = arith.constant 0 : i32
      %dma_wait3A_198 = arith.constant 0 : i32
      %dma_wait3A_199 = tpu.memref_slice %arg6[%dma_wait3A_196, %dma_wait3A_197, %dma_wait3A_198] : memref<4x128x128xf32, #tpu.memory_space<vmem>> -> memref<1x128x128xf32, #tpu.memory_space<vmem>>
      %dma_wait3A_200 = tpu.memref_squeeze %dma_wait3A_199 : memref<1x128x128xf32, #tpu.memory_space<vmem>> -> memref<128x128xf32, #tpu.memory_space<vmem>>
      %dma_wait3A_201 = arith.constant 0 : i32
      %dma_wait3A_202 = tpu.memref_slice %arg4[%add3A_122, %dma_wait3A_201] : memref<65536x128xf32, #tpu.memory_space<hbm>> -> memref<128x128xf32, #tpu.memory_space<hbm>>
      %dma_wait3A_203 = arith.constant 0 : i32
      %dma_wait3A_204 = tpu.memref_slice %arg4[%add3A_122, %dma_wait3A_203] : memref<65536x128xf32, #tpu.memory_space<hbm>> -> memref<128x128xf32, #tpu.memory_space<hbm>>
      %dma_wait3A_205 = arith.constant 0 : i32
      %dma_wait3A_206 = arith.constant 0 : i32
      %dma_wait3A_207 = tpu.memref_slice %arg6[%dma_wait3A_196, %dma_wait3A_205, %dma_wait3A_206] : memref<4x128x128xf32, #tpu.memory_space<vmem>> -> memref<1x128x128xf32, #tpu.memory_space<vmem>>
      %dma_wait3A_208 = tpu.memref_squeeze %dma_wait3A_207 : memref<1x128x128xf32, #tpu.memory_space<vmem>> -> memref<128x128xf32, #tpu.memory_space<vmem>>
      tpu.wait_dma2 semaphore(%arg8 : memref<!tpu.dma_semaphore, #tpu.memory_space<semaphore_mem>>) src(%dma_wait3A_208 : memref<128x128xf32, #tpu.memory_space<vmem>>) dst(%dma_wait3A_204 : memref<128x128xf32, #tpu.memory_space<hbm>>)
      %dma_wait3A_209 = arith.constant 1 : i32
      %dma_wait3A_210 = arith.constant 0 : i32
      %dma_wait3A_211 = arith.constant 0 : i32
      %dma_wait3A_212 = tpu.memref_slice %arg6[%dma_wait3A_209, %dma_wait3A_210, %dma_wait3A_211] : memref<4x128x128xf32, #tpu.memory_space<vmem>> -> memref<1x128x128xf32, #tpu.memory_space<vmem>>
      %dma_wait3A_213 = tpu.memref_squeeze %dma_wait3A_212 : memref<1x128x128xf32, #tpu.memory_space<vmem>> -> memref<128x128xf32, #tpu.memory_space<vmem>>
      %dma_wait3A_214 = arith.constant 0 : i32
      %dma_wait3A_215 = tpu.memref_slice %arg4[%add3A_142, %dma_wait3A_214] : memref<65536x128xf32, #tpu.memory_space<hbm>> -> memref<128x128xf32, #tpu.memory_space<hbm>>
      %dma_wait3A_216 = arith.constant 0 : i32
      %dma_wait3A_217 = tpu.memref_slice %arg4[%add3A_142, %dma_wait3A_216] : memref<65536x128xf32, #tpu.memory_space<hbm>> -> memref<128x128xf32, #tpu.memory_space<hbm>>
      %dma_wait3A_218 = arith.constant 0 : i32
      %dma_wait3A_219 = arith.constant 0 : i32
      %dma_wait3A_220 = tpu.memref_slice %arg6[%dma_wait3A_209, %dma_wait3A_218, %dma_wait3A_219] : memref<4x128x128xf32, #tpu.memory_space<vmem>> -> memref<1x128x128xf32, #tpu.memory_space<vmem>>
      %dma_wait3A_221 = tpu.memref_squeeze %dma_wait3A_220 : memref<1x128x128xf32, #tpu.memory_space<vmem>> -> memref<128x128xf32, #tpu.memory_space<vmem>>
      tpu.wait_dma2 semaphore(%arg8 : memref<!tpu.dma_semaphore, #tpu.memory_space<semaphore_mem>>) src(%dma_wait3A_221 : memref<128x128xf32, #tpu.memory_space<vmem>>) dst(%dma_wait3A_217 : memref<128x128xf32, #tpu.memory_space<hbm>>)
      %dma_wait3A_222 = arith.constant 2 : i32
      %dma_wait3A_223 = arith.constant 0 : i32
      %dma_wait3A_224 = arith.constant 0 : i32
      %dma_wait3A_225 = tpu.memref_slice %arg6[%dma_wait3A_222, %dma_wait3A_223, %dma_wait3A_224] : memref<4x128x128xf32, #tpu.memory_space<vmem>> -> memref<1x128x128xf32, #tpu.memory_space<vmem>>
      %dma_wait3A_226 = tpu.memref_squeeze %dma_wait3A_225 : memref<1x128x128xf32, #tpu.memory_space<vmem>> -> memref<128x128xf32, #tpu.memory_space<vmem>>
      %dma_wait3A_227 = arith.constant 0 : i32
      %dma_wait3A_228 = tpu.memref_slice %arg4[%add3A_162, %dma_wait3A_227] : memref<65536x128xf32, #tpu.memory_space<hbm>> -> memref<128x128xf32, #tpu.memory_space<hbm>>
      %dma_wait3A_229 = arith.constant 0 : i32
      %dma_wait3A_230 = tpu.memref_slice %arg4[%add3A_162, %dma_wait3A_229] : memref<65536x128xf32, #tpu.memory_space<hbm>> -> memref<128x128xf32, #tpu.memory_space<hbm>>
      %dma_wait3A_231 = arith.constant 0 : i32
      %dma_wait3A_232 = arith.constant 0 : i32
      %dma_wait3A_233 = tpu.memref_slice %arg6[%dma_wait3A_222, %dma_wait3A_231, %dma_wait3A_232] : memref<4x128x128xf32, #tpu.memory_space<vmem>> -> memref<1x128x128xf32, #tpu.memory_space<vmem>>
      %dma_wait3A_234 = tpu.memref_squeeze %dma_wait3A_233 : memref<1x128x128xf32, #tpu.memory_space<vmem>> -> memref<128x128xf32, #tpu.memory_space<vmem>>
      tpu.wait_dma2 semaphore(%arg8 : memref<!tpu.dma_semaphore, #tpu.memory_space<semaphore_mem>>) src(%dma_wait3A_234 : memref<128x128xf32, #tpu.memory_space<vmem>>) dst(%dma_wait3A_230 : memref<128x128xf32, #tpu.memory_space<hbm>>)
      %dma_wait3A_235 = arith.constant 3 : i32
      %dma_wait3A_236 = arith.constant 0 : i32
      %dma_wait3A_237 = arith.constant 0 : i32
      %dma_wait3A_238 = tpu.memref_slice %arg6[%dma_wait3A_235, %dma_wait3A_236, %dma_wait3A_237] : memref<4x128x128xf32, #tpu.memory_space<vmem>> -> memref<1x128x128xf32, #tpu.memory_space<vmem>>
      %dma_wait3A_239 = tpu.memref_squeeze %dma_wait3A_238 : memref<1x128x128xf32, #tpu.memory_space<vmem>> -> memref<128x128xf32, #tpu.memory_space<vmem>>
      %dma_wait3A_240 = arith.constant 0 : i32
      %dma_wait3A_241 = tpu.memref_slice %arg4[%add3A_182, %dma_wait3A_240] : memref<65536x128xf32, #tpu.memory_space<hbm>> -> memref<128x128xf32, #tpu.memory_space<hbm>>
      %dma_wait3A_242 = arith.constant 0 : i32
      %dma_wait3A_243 = tpu.memref_slice %arg4[%add3A_182, %dma_wait3A_242] : memref<65536x128xf32, #tpu.memory_space<hbm>> -> memref<128x128xf32, #tpu.memory_space<hbm>>
      %dma_wait3A_244 = arith.constant 0 : i32
      %dma_wait3A_245 = arith.constant 0 : i32
      %dma_wait3A_246 = tpu.memref_slice %arg6[%dma_wait3A_235, %dma_wait3A_244, %dma_wait3A_245] : memref<4x128x128xf32, #tpu.memory_space<vmem>> -> memref<1x128x128xf32, #tpu.memory_space<vmem>>
      %dma_wait3A_247 = tpu.memref_squeeze %dma_wait3A_246 : memref<1x128x128xf32, #tpu.memory_space<vmem>> -> memref<128x128xf32, #tpu.memory_space<vmem>>
      tpu.wait_dma2 semaphore(%arg8 : memref<!tpu.dma_semaphore, #tpu.memory_space<semaphore_mem>>) src(%dma_wait3A_247 : memref<128x128xf32, #tpu.memory_space<vmem>>) dst(%dma_wait3A_243 : memref<128x128xf32, #tpu.memory_space<hbm>>)
    }
    %scan3A_8 = arith.constant 4 : i32
    return
  }
}

module attributes {stable_mosaic.version = 14 : i64} {
  func.func @_stage1_body(%arg0: i32, %arg1: i32, %arg2: memref<256x128xf32, #tpu.memory_space<vmem>>, %arg3: memref<1x4096x2xf32, #tpu.memory_space<vmem>>, %arg4: memref<1x2x256xf32, #tpu.memory_space<vmem>>, %arg5: memref<256x2xf32, #tpu.memory_space<vmem>>, %arg6: memref<128x32xf32, #tpu.memory_space<vmem>>, %arg7: memref<1x32xf32, #tpu.memory_space<vmem>>, %arg8: memref<2x32xf32, #tpu.memory_space<vmem>>, %arg9: memref<2x32xf32, #tpu.memory_space<vmem>>, %arg10: memref<1x32xf32, #tpu.memory_space<vmem>>, %arg11: memref<256x128xf32, #tpu.memory_space<vmem>>, %arg12: memref<1x16x256xi32, #tpu.memory_space<vmem>>, %arg13: memref<256x32xf32, #tpu.memory_space<vmem>>, %arg14: memref<4096x256xf32, #tpu.memory_space<vmem>>) attributes {dimension_semantics = [#tpu.dimension_semantics<arbitrary>, #tpu.dimension_semantics<arbitrary>], iteration_bounds = array<i64: 1, 16>, scalar_prefetch = 0 : i64, scratch_operands = 1 : i64, tpu.core_type = #tpu.core_type<tc>, window_params = [{transform_indices = @transform_0, window_bounds = array<i64: 256, 128>}, {transform_indices = @transform_1, window_bounds = array<i64: 1, 4096, 2>}, {transform_indices = @transform_2, window_bounds = array<i64: 1, 2, 256>}, {transform_indices = @transform_3, window_bounds = array<i64: 256, 2>}, {pipeline_mode = #tpu.pipeline_mode<synchronous>, transform_indices = @transform_4, window_bounds = array<i64: 128, 32>}, {pipeline_mode = #tpu.pipeline_mode<synchronous>, transform_indices = @transform_5, window_bounds = array<i64: 1, 32>}, {pipeline_mode = #tpu.pipeline_mode<synchronous>, transform_indices = @transform_6, window_bounds = array<i64: 2, 32>}, {pipeline_mode = #tpu.pipeline_mode<synchronous>, transform_indices = @transform_7, window_bounds = array<i64: 2, 32>}, {pipeline_mode = #tpu.pipeline_mode<synchronous>, transform_indices = @transform_8, window_bounds = array<i64: 1, 32>}, {transform_indices = @transform_9, window_bounds = array<i64: 256, 128>}, {transform_indices = @transform_10, window_bounds = array<i64: 1, 16, 256>}, {transform_indices = @transform_11, window_bounds = array<i64: 256, 32>}]} {
    %get3A = arith.constant 0 : index
    %get3A_0 = arith.constant 0 : index
    %get3A_1 = vector.load %arg2[%get3A, %get3A_0] : memref<256x128xf32, #tpu.memory_space<vmem>>, vector<256x128xf32>
    %get3A_2 = arith.constant 0 : index
    %get3A_3 = arith.constant 0 : index
    %get3A_4 = vector.load %arg6[%get3A_2, %get3A_3] : memref<128x32xf32, #tpu.memory_space<vmem>>, vector<128x32xf32>
    %dot_general3A = arith.constant dense<0.000000e+00> : vector<256x32xf32>
    %dot_general3A_5 = tpu.matmul %get3A_1, %get3A_4, %dot_general3A {dimension_numbers = #tpu.dot_dimension_numbers<[1], [0], [0], [1], [0, 0, 1, 1], [], []>, transpose_lhs_hint = false} : vector<256x128xf32>, vector<128x32xf32>, vector<256x32xf32> -> vector<256x32xf32>
    %get3A_6 = arith.constant 0 : index
    %get3A_7 = arith.constant 0 : index
    %get3A_8 = vector.load %arg7[%get3A_6, %get3A_7] : memref<1x32xf32, #tpu.memory_space<vmem>>, vector<1x32xf32>
    %add3A = vector.broadcast %get3A_8 : vector<1x32xf32> to vector<256x32xf32>
    %add3A_9 = arith.addf %dot_general3A_5, %add3A : vector<256x32xf32>
    %max3A = arith.constant 0.000000e+00 : f32
    %max3A_10 = vector.broadcast %max3A : f32 to vector<256x32xf32>
    %max3A_11 = arith.maximumf %add3A_9, %max3A_10 : vector<256x32xf32>
    %get3A_12 = arith.constant 0 : index
    %get3A_13 = arith.constant 0 : index
    %get3A_14 = vector.load %arg5[%get3A_12, %get3A_13] : memref<256x2xf32, #tpu.memory_space<vmem>>, vector<256x2xf32>
    %get3A_15 = arith.constant 0 : index
    %get3A_16 = arith.constant 0 : index
    %get3A_17 = vector.load %arg8[%get3A_15, %get3A_16] : memref<2x32xf32, #tpu.memory_space<vmem>>, vector<2x32xf32>
    %dot_general3A_18 = arith.constant dense<0.000000e+00> : vector<256x32xf32>
    %dot_general3A_19 = tpu.matmul %get3A_14, %get3A_17, %dot_general3A_18 {dimension_numbers = #tpu.dot_dimension_numbers<[1], [0], [0], [1], [0, 0, 1, 1], [], []>, transpose_lhs_hint = false} : vector<256x2xf32>, vector<2x32xf32>, vector<256x32xf32> -> vector<256x32xf32>
    %broadcast_in_dim3A = arith.constant 0.000000e+00 : f32
    %broadcast_in_dim3A_20 = vector.broadcast %broadcast_in_dim3A : f32 to vector<256x62xf32>
    %get3A_21 = arith.constant 0 : index
    %get3A_22 = arith.constant 0 : index
    %get3A_23 = vector.load %arg5[%get3A_21, %get3A_22] : memref<256x2xf32, #tpu.memory_space<vmem>>, vector<256x2xf32>
    %concatenate3A = tpu.concatenate %max3A_11, %dot_general3A_19, %get3A_23, %broadcast_in_dim3A_20 in 1 : vector<256x32xf32>, vector<256x32xf32>, vector<256x2xf32>, vector<256x62xf32> -> vector<256x128xf32>
    %swap3A = arith.constant 0 : index
    %swap3A_24 = arith.constant 0 : index
    %swap3A_25 = vector.load %arg11[%swap3A, %swap3A_24] : memref<256x128xf32, #tpu.memory_space<vmem>>, vector<256x128xf32>
    tpu.vector_store %arg11[%swap3A, %swap3A_24], %concatenate3A {strides = array<i32>} : memref<256x128xf32, #tpu.memory_space<vmem>>, vector<256x128xf32>,
    %get3A_26 = arith.constant 0 : index
    %get3A_27 = arith.constant 0 : index
    %get3A_28 = vector.load %arg5[%get3A_26, %get3A_27] : memref<256x2xf32, #tpu.memory_space<vmem>>, vector<256x2xf32>
    %get3A_29 = arith.constant 0 : index
    %get3A_30 = arith.constant 0 : index
    %get3A_31 = vector.load %arg9[%get3A_29, %get3A_30] : memref<2x32xf32, #tpu.memory_space<vmem>>, vector<2x32xf32>
    %dot_general3A_32 = arith.constant dense<0.000000e+00> : vector<256x32xf32>
    %dot_general3A_33 = tpu.matmul %get3A_28, %get3A_31, %dot_general3A_32 {dimension_numbers = #tpu.dot_dimension_numbers<[1], [0], [0], [1], [0, 0, 1, 1], [], []>, transpose_lhs_hint = false} : vector<256x2xf32>, vector<2x32xf32>, vector<256x32xf32> -> vector<256x32xf32>
    %get3A_34 = arith.constant 0 : index
    %get3A_35 = arith.constant 0 : index
    %get3A_36 = vector.load %arg10[%get3A_34, %get3A_35] : memref<1x32xf32, #tpu.memory_space<vmem>>, vector<1x32xf32>
    %add3A_37 = vector.broadcast %get3A_36 : vector<1x32xf32> to vector<256x32xf32>
    %add3A_38 = arith.addf %dot_general3A_33, %add3A_37 : vector<256x32xf32>
    %swap3A_39 = arith.constant 0 : index
    %swap3A_40 = arith.constant 0 : index
    %swap3A_41 = vector.load %arg13[%swap3A_39, %swap3A_40] : memref<256x32xf32, #tpu.memory_space<vmem>>, vector<256x32xf32>
    tpu.vector_store %arg13[%swap3A_39, %swap3A_40], %add3A_38 {strides = array<i32>} : memref<256x32xf32, #tpu.memory_space<vmem>>, vector<256x32xf32>,
    %get3A_42 = arith.constant 0 : index
    %get3A_43 = arith.constant 0 : index
    %get3A_44 = arith.constant 0 : index
    %get3A_45 = vector.load %arg3[%get3A_42, %get3A_43, %get3A_44] : memref<1x4096x2xf32, #tpu.memory_space<vmem>>, vector<1x4096x2xf32>
    %get3A_46 = vector.shape_cast %get3A_45 : vector<1x4096x2xf32> to vector<4096x2xf32>
    %get3A_47 = arith.constant 0 : index
    %get3A_48 = arith.constant 0 : index
    %get3A_49 = arith.constant 0 : index
    %get3A_50 = vector.load %arg4[%get3A_47, %get3A_48, %get3A_49] : memref<1x2x256xf32, #tpu.memory_space<vmem>>, vector<1x2x256xf32>
    %get3A_51 = vector.shape_cast %get3A_50 : vector<1x2x256xf32> to vector<2x256xf32>
    %slice3A = vector.extract_strided_slice %get3A_46 {offsets = [0, 0], sizes = [4096, 1], strides = [1, 1]} : vector<4096x2xf32> to vector<4096x1xf32>
    %slice3A_52 = vector.extract_strided_slice %get3A_46 {offsets = [0, 1], sizes = [4096, 1], strides = [1, 1]} : vector<4096x2xf32> to vector<4096x1xf32>
    %slice3A_53 = vector.extract_strided_slice %get3A_51 {offsets = [0, 0], sizes = [1, 256], strides = [1, 1]} : vector<2x256xf32> to vector<1x256xf32>
    %slice3A_54 = vector.extract_strided_slice %get3A_51 {offsets = [1, 0], sizes = [1, 256], strides = [1, 1]} : vector<2x256xf32> to vector<1x256xf32>
    %mul3A = arith.mulf %slice3A, %slice3A : vector<4096x1xf32>
    %mul3A_55 = arith.mulf %slice3A_52, %slice3A_52 : vector<4096x1xf32>
    %add3A_56 = arith.addf %mul3A, %mul3A_55 : vector<4096x1xf32>
    %mul3A_57 = arith.mulf %slice3A_53, %slice3A_53 : vector<1x256xf32>
    %mul3A_58 = arith.mulf %slice3A_54, %slice3A_54 : vector<1x256xf32>
    %add3A_59 = arith.addf %mul3A_57, %mul3A_58 : vector<1x256xf32>
    %dot_general3A_60 = arith.constant dense<0.000000e+00> : vector<4096x256xf32>
    %dot_general3A_61 = tpu.matmul %get3A_46, %get3A_51, %dot_general3A_60 {dimension_numbers = #tpu.dot_dimension_numbers<[1], [0], [0], [1], [0, 0, 1, 1], [], []>, transpose_lhs_hint = false} : vector<4096x2xf32>, vector<2x256xf32>, vector<4096x256xf32> -> vector<4096x256xf32>
    %mul3A_62 = arith.constant 2.000000e+00 : f32
    %mul3A_63 = vector.broadcast %mul3A_62 : f32 to vector<4096x256xf32>
    %mul3A_64 = arith.mulf %mul3A_63, %dot_general3A_61 : vector<4096x256xf32>
    %sub3A = vector.broadcast %add3A_59 : vector<1x256xf32> to vector<4096x256xf32>
    %sub3A_65 = arith.subf %sub3A, %mul3A_64 : vector<4096x256xf32>
    %add3A_66 = vector.broadcast %add3A_56 : vector<4096x1xf32> to vector<4096x256xf32>
    %add3A_67 = arith.addf %sub3A_65, %add3A_66 : vector<4096x256xf32>
    %swap3A_68 = arith.constant 0 : index
    %swap3A_69 = arith.constant 0 : index
    %swap3A_70 = vector.load %arg14[%swap3A_68, %swap3A_69] : memref<4096x256xf32, #tpu.memory_space<vmem>>, vector<4096x256xf32>
    tpu.vector_store %arg14[%swap3A_68, %swap3A_69], %add3A_67 {strides = array<i32>} : memref<4096x256xf32, #tpu.memory_space<vmem>>, vector<4096x256xf32>,
    %iota3A = tpu.iota {dimensions = array<i32: 0>} : vector<4096x256xi32>
    %get3A_71 = arith.constant 0 : index
    %get3A_72 = arith.constant 0 : index
    %get3A_73 = vector.load %arg14[%get3A_71, %get3A_72] : memref<4096x256xf32, #tpu.memory_space<vmem>>, vector<4096x256xf32>
    %argmin3A = tpu.reduce_index %get3A_73 {axis = 0 : i32, kind = #tpu.reduction_kind<arg_min>} : vector<4096x256xf32> -> vector<256xi32>
    %reshape3A = vector.shape_cast %argmin3A : vector<256xi32> to vector<1x256xi32>
    %mul3A_74 = arith.constant 4096 : i32
    %mul3A_75 = arith.muli %arg0, %mul3A_74 : i32
    %add3A_76 = vector.broadcast %mul3A_75 : i32 to vector<1x256xi32>
    %add3A_77 = arith.addi %reshape3A, %add3A_76 : vector<1x256xi32>
    %get3A_78 = arith.constant 0 : index
    %get3A_79 = arith.constant 0 : index
    %get3A_80 = vector.load %arg14[%get3A_78, %get3A_79] : memref<4096x256xf32, #tpu.memory_space<vmem>>, vector<4096x256xf32>
    %eq3A = vector.broadcast %reshape3A : vector<1x256xi32> to vector<4096x256xi32>
    %eq3A_81 = arith.cmpi eq, %iota3A, %eq3A : vector<4096x256xi32>
    %jit3A = arith.constant 0x7F800000 : f32
    %broadcast_in_dim3A_82 = vector.broadcast %jit3A : f32 to vector<4096x256xf32>
    %select_n3A = arith.select %eq3A_81, %broadcast_in_dim3A_82, %get3A_80 : vector<4096x256xi1>, vector<4096x256xf32>
    %swap3A_83 = arith.constant 0 : index
    %swap3A_84 = arith.constant 0 : index
    %swap3A_85 = vector.load %arg14[%swap3A_83, %swap3A_84] : memref<4096x256xf32, #tpu.memory_space<vmem>>, vector<4096x256xf32>
    tpu.vector_store %arg14[%swap3A_83, %swap3A_84], %select_n3A {strides = array<i32>} : memref<4096x256xf32, #tpu.memory_space<vmem>>, vector<4096x256xf32>,
    %argmin3A_86 = tpu.reduce_index %select_n3A {axis = 0 : i32, kind = #tpu.reduction_kind<arg_min>} : vector<4096x256xf32> -> vector<256xi32>
    %reshape3A_87 = vector.shape_cast %argmin3A_86 : vector<256xi32> to vector<1x256xi32>
    %mul3A_88 = arith.constant 4096 : i32
    %mul3A_89 = arith.muli %arg0, %mul3A_88 : i32
    %add3A_90 = vector.broadcast %mul3A_89 : i32 to vector<1x256xi32>
    %add3A_91 = arith.addi %reshape3A_87, %add3A_90 : vector<1x256xi32>
    %get3A_92 = arith.constant 0 : index
    %get3A_93 = arith.constant 0 : index
    %get3A_94 = vector.load %arg14[%get3A_92, %get3A_93] : memref<4096x256xf32, #tpu.memory_space<vmem>>, vector<4096x256xf32>
    %eq3A_95 = vector.broadcast %reshape3A_87 : vector<1x256xi32> to vector<4096x256xi32>
    %eq3A_96 = arith.cmpi eq, %iota3A, %eq3A_95 : vector<4096x256xi32>
    %jit3A_97 = arith.constant 0x7F800000 : f32
    %broadcast_in_dim3A_98 = vector.broadcast %jit3A_97 : f32 to vector<4096x256xf32>
    %select_n3A_99 = arith.select %eq3A_96, %broadcast_in_dim3A_98, %get3A_94 : vector<4096x256xi1>, vector<4096x256xf32>
    %swap3A_100 = arith.constant 0 : index
    %swap3A_101 = arith.constant 0 : index
    %swap3A_102 = vector.load %arg14[%swap3A_100, %swap3A_101] : memref<4096x256xf32, #tpu.memory_space<vmem>>, vector<4096x256xf32>
    tpu.vector_store %arg14[%swap3A_100, %swap3A_101], %select_n3A_99 {strides = array<i32>} : memref<4096x256xf32, #tpu.memory_space<vmem>>, vector<4096x256xf32>,
    %argmin3A_103 = tpu.reduce_index %select_n3A_99 {axis = 0 : i32, kind = #tpu.reduction_kind<arg_min>} : vector<4096x256xf32> -> vector<256xi32>
    %reshape3A_104 = vector.shape_cast %argmin3A_103 : vector<256xi32> to vector<1x256xi32>
    %mul3A_105 = arith.constant 4096 : i32
    %mul3A_106 = arith.muli %arg0, %mul3A_105 : i32
    %add3A_107 = vector.broadcast %mul3A_106 : i32 to vector<1x256xi32>
    %add3A_108 = arith.addi %reshape3A_104, %add3A_107 : vector<1x256xi32>
    %get3A_109 = arith.constant 0 : index
    %get3A_110 = arith.constant 0 : index
    %get3A_111 = vector.load %arg14[%get3A_109, %get3A_110] : memref<4096x256xf32, #tpu.memory_space<vmem>>, vector<4096x256xf32>
    %eq3A_112 = vector.broadcast %reshape3A_104 : vector<1x256xi32> to vector<4096x256xi32>
    %eq3A_113 = arith.cmpi eq, %iota3A, %eq3A_112 : vector<4096x256xi32>
    %jit3A_114 = arith.constant 0x7F800000 : f32
    %broadcast_in_dim3A_115 = vector.broadcast %jit3A_114 : f32 to vector<4096x256xf32>
    %select_n3A_116 = arith.select %eq3A_113, %broadcast_in_dim3A_115, %get3A_111 : vector<4096x256xi1>, vector<4096x256xf32>
    %swap3A_117 = arith.constant 0 : index
    %swap3A_118 = arith.constant 0 : index
    %swap3A_119 = vector.load %arg14[%swap3A_117, %swap3A_118] : memref<4096x256xf32, #tpu.memory_space<vmem>>, vector<4096x256xf32>
    tpu.vector_store %arg14[%swap3A_117, %swap3A_118], %select_n3A_116 {strides = array<i32>} : memref<4096x256xf32, #tpu.memory_space<vmem>>, vector<4096x256xf32>,
    %argmin3A_120 = tpu.reduce_index %select_n3A_116 {axis = 0 : i32, kind = #tpu.reduction_kind<arg_min>} : vector<4096x256xf32> -> vector<256xi32>
    %reshape3A_121 = vector.shape_cast %argmin3A_120 : vector<256xi32> to vector<1x256xi32>
    %mul3A_122 = arith.constant 4096 : i32
    %mul3A_123 = arith.muli %arg0, %mul3A_122 : i32
    %add3A_124 = vector.broadcast %mul3A_123 : i32 to vector<1x256xi32>
    %add3A_125 = arith.addi %reshape3A_121, %add3A_124 : vector<1x256xi32>
    %get3A_126 = arith.constant 0 : index
    %get3A_127 = arith.constant 0 : index
    %get3A_128 = vector.load %arg14[%get3A_126, %get3A_127] : memref<4096x256xf32, #tpu.memory_space<vmem>>, vector<4096x256xf32>
    %eq3A_129 = vector.broadcast %reshape3A_121 : vector<1x256xi32> to vector<4096x256xi32>
    %eq3A_130 = arith.cmpi eq, %iota3A, %eq3A_129 : vector<4096x256xi32>
    %jit3A_131 = arith.constant 0x7F800000 : f32
    %broadcast_in_dim3A_132 = vector.broadcast %jit3A_131 : f32 to vector<4096x256xf32>
    %select_n3A_133 = arith.select %eq3A_130, %broadcast_in_dim3A_132, %get3A_128 : vector<4096x256xi1>, vector<4096x256xf32>
    %swap3A_134 = arith.constant 0 : index
    %swap3A_135 = arith.constant 0 : index
    %swap3A_136 = vector.load %arg14[%swap3A_134, %swap3A_135] : memref<4096x256xf32, #tpu.memory_space<vmem>>, vector<4096x256xf32>
    tpu.vector_store %arg14[%swap3A_134, %swap3A_135], %select_n3A_133 {strides = array<i32>} : memref<4096x256xf32, #tpu.memory_space<vmem>>, vector<4096x256xf32>,
    %argmin3A_137 = tpu.reduce_index %select_n3A_133 {axis = 0 : i32, kind = #tpu.reduction_kind<arg_min>} : vector<4096x256xf32> -> vector<256xi32>
    %reshape3A_138 = vector.shape_cast %argmin3A_137 : vector<256xi32> to vector<1x256xi32>
    %mul3A_139 = arith.constant 4096 : i32
    %mul3A_140 = arith.muli %arg0, %mul3A_139 : i32
    %add3A_141 = vector.broadcast %mul3A_140 : i32 to vector<1x256xi32>
    %add3A_142 = arith.addi %reshape3A_138, %add3A_141 : vector<1x256xi32>
    %get3A_143 = arith.constant 0 : index
    %get3A_144 = arith.constant 0 : index
    %get3A_145 = vector.load %arg14[%get3A_143, %get3A_144] : memref<4096x256xf32, #tpu.memory_space<vmem>>, vector<4096x256xf32>
    %eq3A_146 = vector.broadcast %reshape3A_138 : vector<1x256xi32> to vector<4096x256xi32>
    %eq3A_147 = arith.cmpi eq, %iota3A, %eq3A_146 : vector<4096x256xi32>
    %jit3A_148 = arith.constant 0x7F800000 : f32
    %broadcast_in_dim3A_149 = vector.broadcast %jit3A_148 : f32 to vector<4096x256xf32>
    %select_n3A_150 = arith.select %eq3A_147, %broadcast_in_dim3A_149, %get3A_145 : vector<4096x256xi1>, vector<4096x256xf32>
    %swap3A_151 = arith.constant 0 : index
    %swap3A_152 = arith.constant 0 : index
    %swap3A_153 = vector.load %arg14[%swap3A_151, %swap3A_152] : memref<4096x256xf32, #tpu.memory_space<vmem>>, vector<4096x256xf32>
    tpu.vector_store %arg14[%swap3A_151, %swap3A_152], %select_n3A_150 {strides = array<i32>} : memref<4096x256xf32, #tpu.memory_space<vmem>>, vector<4096x256xf32>,
    %argmin3A_154 = tpu.reduce_index %select_n3A_150 {axis = 0 : i32, kind = #tpu.reduction_kind<arg_min>} : vector<4096x256xf32> -> vector<256xi32>
    %reshape3A_155 = vector.shape_cast %argmin3A_154 : vector<256xi32> to vector<1x256xi32>
    %mul3A_156 = arith.constant 4096 : i32
    %mul3A_157 = arith.muli %arg0, %mul3A_156 : i32
    %add3A_158 = vector.broadcast %mul3A_157 : i32 to vector<1x256xi32>
    %add3A_159 = arith.addi %reshape3A_155, %add3A_158 : vector<1x256xi32>
    %get3A_160 = arith.constant 0 : index
    %get3A_161 = arith.constant 0 : index
    %get3A_162 = vector.load %arg14[%get3A_160, %get3A_161] : memref<4096x256xf32, #tpu.memory_space<vmem>>, vector<4096x256xf32>
    %eq3A_163 = vector.broadcast %reshape3A_155 : vector<1x256xi32> to vector<4096x256xi32>
    %eq3A_164 = arith.cmpi eq, %iota3A, %eq3A_163 : vector<4096x256xi32>
    %jit3A_165 = arith.constant 0x7F800000 : f32
    %broadcast_in_dim3A_166 = vector.broadcast %jit3A_165 : f32 to vector<4096x256xf32>
    %select_n3A_167 = arith.select %eq3A_164, %broadcast_in_dim3A_166, %get3A_162 : vector<4096x256xi1>, vector<4096x256xf32>
    %swap3A_168 = arith.constant 0 : index
    %swap3A_169 = arith.constant 0 : index
    %swap3A_170 = vector.load %arg14[%swap3A_168, %swap3A_169] : memref<4096x256xf32, #tpu.memory_space<vmem>>, vector<4096x256xf32>
    tpu.vector_store %arg14[%swap3A_168, %swap3A_169], %select_n3A_167 {strides = array<i32>} : memref<4096x256xf32, #tpu.memory_space<vmem>>, vector<4096x256xf32>,
    %argmin3A_171 = tpu.reduce_index %select_n3A_167 {axis = 0 : i32, kind = #tpu.reduction_kind<arg_min>} : vector<4096x256xf32> -> vector<256xi32>
    %reshape3A_172 = vector.shape_cast %argmin3A_171 : vector<256xi32> to vector<1x256xi32>
    %mul3A_173 = arith.constant 4096 : i32
    %mul3A_174 = arith.muli %arg0, %mul3A_173 : i32
    %add3A_175 = vector.broadcast %mul3A_174 : i32 to vector<1x256xi32>
    %add3A_176 = arith.addi %reshape3A_172, %add3A_175 : vector<1x256xi32>
    %get3A_177 = arith.constant 0 : index
    %get3A_178 = arith.constant 0 : index
    %get3A_179 = vector.load %arg14[%get3A_177, %get3A_178] : memref<4096x256xf32, #tpu.memory_space<vmem>>, vector<4096x256xf32>
    %eq3A_180 = vector.broadcast %reshape3A_172 : vector<1x256xi32> to vector<4096x256xi32>
    %eq3A_181 = arith.cmpi eq, %iota3A, %eq3A_180 : vector<4096x256xi32>
    %jit3A_182 = arith.constant 0x7F800000 : f32
    %broadcast_in_dim3A_183 = vector.broadcast %jit3A_182 : f32 to vector<4096x256xf32>
    %select_n3A_184 = arith.select %eq3A_181, %broadcast_in_dim3A_183, %get3A_179 : vector<4096x256xi1>, vector<4096x256xf32>
    %swap3A_185 = arith.constant 0 : index
    %swap3A_186 = arith.constant 0 : index
    %swap3A_187 = vector.load %arg14[%swap3A_185, %swap3A_186] : memref<4096x256xf32, #tpu.memory_space<vmem>>, vector<4096x256xf32>
    tpu.vector_store %arg14[%swap3A_185, %swap3A_186], %select_n3A_184 {strides = array<i32>} : memref<4096x256xf32, #tpu.memory_space<vmem>>, vector<4096x256xf32>,
    %argmin3A_188 = tpu.reduce_index %select_n3A_184 {axis = 0 : i32, kind = #tpu.reduction_kind<arg_min>} : vector<4096x256xf32> -> vector<256xi32>
    %reshape3A_189 = vector.shape_cast %argmin3A_188 : vector<256xi32> to vector<1x256xi32>
    %mul3A_190 = arith.constant 4096 : i32
    %mul3A_191 = arith.muli %arg0, %mul3A_190 : i32
    %add3A_192 = vector.broadcast %mul3A_191 : i32 to vector<1x256xi32>
    %add3A_193 = arith.addi %reshape3A_189, %add3A_192 : vector<1x256xi32>
    %get3A_194 = arith.constant 0 : index
    %get3A_195 = arith.constant 0 : index
    %get3A_196 = vector.load %arg14[%get3A_194, %get3A_195] : memref<4096x256xf32, #tpu.memory_space<vmem>>, vector<4096x256xf32>
    %eq3A_197 = vector.broadcast %reshape3A_189 : vector<1x256xi32> to vector<4096x256xi32>
    %eq3A_198 = arith.cmpi eq, %iota3A, %eq3A_197 : vector<4096x256xi32>
    %jit3A_199 = arith.constant 0x7F800000 : f32
    %broadcast_in_dim3A_200 = vector.broadcast %jit3A_199 : f32 to vector<4096x256xf32>
    %select_n3A_201 = arith.select %eq3A_198, %broadcast_in_dim3A_200, %get3A_196 : vector<4096x256xi1>, vector<4096x256xf32>
    %swap3A_202 = arith.constant 0 : index
    %swap3A_203 = arith.constant 0 : index
    %swap3A_204 = vector.load %arg14[%swap3A_202, %swap3A_203] : memref<4096x256xf32, #tpu.memory_space<vmem>>, vector<4096x256xf32>
    tpu.vector_store %arg14[%swap3A_202, %swap3A_203], %select_n3A_201 {strides = array<i32>} : memref<4096x256xf32, #tpu.memory_space<vmem>>, vector<4096x256xf32>,
    %argmin3A_205 = tpu.reduce_index %select_n3A_201 {axis = 0 : i32, kind = #tpu.reduction_kind<arg_min>} : vector<4096x256xf32> -> vector<256xi32>
    %reshape3A_206 = vector.shape_cast %argmin3A_205 : vector<256xi32> to vector<1x256xi32>
    %mul3A_207 = arith.constant 4096 : i32
    %mul3A_208 = arith.muli %arg0, %mul3A_207 : i32
    %add3A_209 = vector.broadcast %mul3A_208 : i32 to vector<1x256xi32>
    %add3A_210 = arith.addi %reshape3A_206, %add3A_209 : vector<1x256xi32>
    %get3A_211 = arith.constant 0 : index
    %get3A_212 = arith.constant 0 : index
    %get3A_213 = vector.load %arg14[%get3A_211, %get3A_212] : memref<4096x256xf32, #tpu.memory_space<vmem>>, vector<4096x256xf32>
    %eq3A_214 = vector.broadcast %reshape3A_206 : vector<1x256xi32> to vector<4096x256xi32>
    %eq3A_215 = arith.cmpi eq, %iota3A, %eq3A_214 : vector<4096x256xi32>
    %jit3A_216 = arith.constant 0x7F800000 : f32
    %broadcast_in_dim3A_217 = vector.broadcast %jit3A_216 : f32 to vector<4096x256xf32>
    %select_n3A_218 = arith.select %eq3A_215, %broadcast_in_dim3A_217, %get3A_213 : vector<4096x256xi1>, vector<4096x256xf32>
    %swap3A_219 = arith.constant 0 : index
    %swap3A_220 = arith.constant 0 : index
    %swap3A_221 = vector.load %arg14[%swap3A_219, %swap3A_220] : memref<4096x256xf32, #tpu.memory_space<vmem>>, vector<4096x256xf32>
    tpu.vector_store %arg14[%swap3A_219, %swap3A_220], %select_n3A_218 {strides = array<i32>} : memref<4096x256xf32, #tpu.memory_space<vmem>>, vector<4096x256xf32>,
    %argmin3A_222 = tpu.reduce_index %select_n3A_218 {axis = 0 : i32, kind = #tpu.reduction_kind<arg_min>} : vector<4096x256xf32> -> vector<256xi32>
    %reshape3A_223 = vector.shape_cast %argmin3A_222 : vector<256xi32> to vector<1x256xi32>
    %mul3A_224 = arith.constant 4096 : i32
    %mul3A_225 = arith.muli %arg0, %mul3A_224 : i32
    %add3A_226 = vector.broadcast %mul3A_225 : i32 to vector<1x256xi32>
    %add3A_227 = arith.addi %reshape3A_223, %add3A_226 : vector<1x256xi32>
    %get3A_228 = arith.constant 0 : index
    %get3A_229 = arith.constant 0 : index
    %get3A_230 = vector.load %arg14[%get3A_228, %get3A_229] : memref<4096x256xf32, #tpu.memory_space<vmem>>, vector<4096x256xf32>
    %eq3A_231 = vector.broadcast %reshape3A_223 : vector<1x256xi32> to vector<4096x256xi32>
    %eq3A_232 = arith.cmpi eq, %iota3A, %eq3A_231 : vector<4096x256xi32>
    %jit3A_233 = arith.constant 0x7F800000 : f32
    %broadcast_in_dim3A_234 = vector.broadcast %jit3A_233 : f32 to vector<4096x256xf32>
    %select_n3A_235 = arith.select %eq3A_232, %broadcast_in_dim3A_234, %get3A_230 : vector<4096x256xi1>, vector<4096x256xf32>
    %swap3A_236 = arith.constant 0 : index
    %swap3A_237 = arith.constant 0 : index
    %swap3A_238 = vector.load %arg14[%swap3A_236, %swap3A_237] : memref<4096x256xf32, #tpu.memory_space<vmem>>, vector<4096x256xf32>
    tpu.vector_store %arg14[%swap3A_236, %swap3A_237], %select_n3A_235 {strides = array<i32>} : memref<4096x256xf32, #tpu.memory_space<vmem>>, vector<4096x256xf32>,
    %argmin3A_239 = tpu.reduce_index %select_n3A_235 {axis = 0 : i32, kind = #tpu.reduction_kind<arg_min>} : vector<4096x256xf32> -> vector<256xi32>
    %reshape3A_240 = vector.shape_cast %argmin3A_239 : vector<256xi32> to vector<1x256xi32>
    %mul3A_241 = arith.constant 4096 : i32
    %mul3A_242 = arith.muli %arg0, %mul3A_241 : i32
    %add3A_243 = vector.broadcast %mul3A_242 : i32 to vector<1x256xi32>
    %add3A_244 = arith.addi %reshape3A_240, %add3A_243 : vector<1x256xi32>
    %get3A_245 = arith.constant 0 : index
    %get3A_246 = arith.constant 0 : index
    %get3A_247 = vector.load %arg14[%get3A_245, %get3A_246] : memref<4096x256xf32, #tpu.memory_space<vmem>>, vector<4096x256xf32>
    %eq3A_248 = vector.broadcast %reshape3A_240 : vector<1x256xi32> to vector<4096x256xi32>
    %eq3A_249 = arith.cmpi eq, %iota3A, %eq3A_248 : vector<4096x256xi32>
    %jit3A_250 = arith.constant 0x7F800000 : f32
    %broadcast_in_dim3A_251 = vector.broadcast %jit3A_250 : f32 to vector<4096x256xf32>
    %select_n3A_252 = arith.select %eq3A_249, %broadcast_in_dim3A_251, %get3A_247 : vector<4096x256xi1>, vector<4096x256xf32>
    %swap3A_253 = arith.constant 0 : index
    %swap3A_254 = arith.constant 0 : index
    %swap3A_255 = vector.load %arg14[%swap3A_253, %swap3A_254] : memref<4096x256xf32, #tpu.memory_space<vmem>>, vector<4096x256xf32>
    tpu.vector_store %arg14[%swap3A_253, %swap3A_254], %select_n3A_252 {strides = array<i32>} : memref<4096x256xf32, #tpu.memory_space<vmem>>, vector<4096x256xf32>,
    %argmin3A_256 = tpu.reduce_index %select_n3A_252 {axis = 0 : i32, kind = #tpu.reduction_kind<arg_min>} : vector<4096x256xf32> -> vector<256xi32>
    %reshape3A_257 = vector.shape_cast %argmin3A_256 : vector<256xi32> to vector<1x256xi32>
    %mul3A_258 = arith.constant 4096 : i32
    %mul3A_259 = arith.muli %arg0, %mul3A_258 : i32
    %add3A_260 = vector.broadcast %mul3A_259 : i32 to vector<1x256xi32>
    %add3A_261 = arith.addi %reshape3A_257, %add3A_260 : vector<1x256xi32>
    %get3A_262 = arith.constant 0 : index
    %get3A_263 = arith.constant 0 : index
    %get3A_264 = vector.load %arg14[%get3A_262, %get3A_263] : memref<4096x256xf32, #tpu.memory_space<vmem>>, vector<4096x256xf32>
    %eq3A_265 = vector.broadcast %reshape3A_257 : vector<1x256xi32> to vector<4096x256xi32>
    %eq3A_266 = arith.cmpi eq, %iota3A, %eq3A_265 : vector<4096x256xi32>
    %jit3A_267 = arith.constant 0x7F800000 : f32
    %broadcast_in_dim3A_268 = vector.broadcast %jit3A_267 : f32 to vector<4096x256xf32>
    %select_n3A_269 = arith.select %eq3A_266, %broadcast_in_dim3A_268, %get3A_264 : vector<4096x256xi1>, vector<4096x256xf32>
    %swap3A_270 = arith.constant 0 : index
    %swap3A_271 = arith.constant 0 : index
    %swap3A_272 = vector.load %arg14[%swap3A_270, %swap3A_271] : memref<4096x256xf32, #tpu.memory_space<vmem>>, vector<4096x256xf32>
    tpu.vector_store %arg14[%swap3A_270, %swap3A_271], %select_n3A_269 {strides = array<i32>} : memref<4096x256xf32, #tpu.memory_space<vmem>>, vector<4096x256xf32>,
    %argmin3A_273 = tpu.reduce_index %select_n3A_269 {axis = 0 : i32, kind = #tpu.reduction_kind<arg_min>} : vector<4096x256xf32> -> vector<256xi32>
    %reshape3A_274 = vector.shape_cast %argmin3A_273 : vector<256xi32> to vector<1x256xi32>
    %mul3A_275 = arith.constant 4096 : i32
    %mul3A_276 = arith.muli %arg0, %mul3A_275 : i32
    %add3A_277 = vector.broadcast %mul3A_276 : i32 to vector<1x256xi32>
    %add3A_278 = arith.addi %reshape3A_274, %add3A_277 : vector<1x256xi32>
    %get3A_279 = arith.constant 0 : index
    %get3A_280 = arith.constant 0 : index
    %get3A_281 = vector.load %arg14[%get3A_279, %get3A_280] : memref<4096x256xf32, #tpu.memory_space<vmem>>, vector<4096x256xf32>
    %eq3A_282 = vector.broadcast %reshape3A_274 : vector<1x256xi32> to vector<4096x256xi32>
    %eq3A_283 = arith.cmpi eq, %iota3A, %eq3A_282 : vector<4096x256xi32>
    %jit3A_284 = arith.constant 0x7F800000 : f32
    %broadcast_in_dim3A_285 = vector.broadcast %jit3A_284 : f32 to vector<4096x256xf32>
    %select_n3A_286 = arith.select %eq3A_283, %broadcast_in_dim3A_285, %get3A_281 : vector<4096x256xi1>, vector<4096x256xf32>
    %swap3A_287 = arith.constant 0 : index
    %swap3A_288 = arith.constant 0 : index
    %swap3A_289 = vector.load %arg14[%swap3A_287, %swap3A_288] : memref<4096x256xf32, #tpu.memory_space<vmem>>, vector<4096x256xf32>
    tpu.vector_store %arg14[%swap3A_287, %swap3A_288], %select_n3A_286 {strides = array<i32>} : memref<4096x256xf32, #tpu.memory_space<vmem>>, vector<4096x256xf32>,
    %argmin3A_290 = tpu.reduce_index %select_n3A_286 {axis = 0 : i32, kind = #tpu.reduction_kind<arg_min>} : vector<4096x256xf32> -> vector<256xi32>
    %reshape3A_291 = vector.shape_cast %argmin3A_290 : vector<256xi32> to vector<1x256xi32>
    %mul3A_292 = arith.constant 4096 : i32
    %mul3A_293 = arith.muli %arg0, %mul3A_292 : i32
    %add3A_294 = vector.broadcast %mul3A_293 : i32 to vector<1x256xi32>
    %add3A_295 = arith.addi %reshape3A_291, %add3A_294 : vector<1x256xi32>
    %get3A_296 = arith.constant 0 : index
    %get3A_297 = arith.constant 0 : index
    %get3A_298 = vector.load %arg14[%get3A_296, %get3A_297] : memref<4096x256xf32, #tpu.memory_space<vmem>>, vector<4096x256xf32>
    %eq3A_299 = vector.broadcast %reshape3A_291 : vector<1x256xi32> to vector<4096x256xi32>
    %eq3A_300 = arith.cmpi eq, %iota3A, %eq3A_299 : vector<4096x256xi32>
    %jit3A_301 = arith.constant 0x7F800000 : f32
    %broadcast_in_dim3A_302 = vector.broadcast %jit3A_301 : f32 to vector<4096x256xf32>
    %select_n3A_303 = arith.select %eq3A_300, %broadcast_in_dim3A_302, %get3A_298 : vector<4096x256xi1>, vector<4096x256xf32>
    %swap3A_304 = arith.constant 0 : index
    %swap3A_305 = arith.constant 0 : index
    %swap3A_306 = vector.load %arg14[%swap3A_304, %swap3A_305] : memref<4096x256xf32, #tpu.memory_space<vmem>>, vector<4096x256xf32>
    tpu.vector_store %arg14[%swap3A_304, %swap3A_305], %select_n3A_303 {strides = array<i32>} : memref<4096x256xf32, #tpu.memory_space<vmem>>, vector<4096x256xf32>,
    %argmin3A_307 = tpu.reduce_index %select_n3A_303 {axis = 0 : i32, kind = #tpu.reduction_kind<arg_min>} : vector<4096x256xf32> -> vector<256xi32>
    %reshape3A_308 = vector.shape_cast %argmin3A_307 : vector<256xi32> to vector<1x256xi32>
    %mul3A_309 = arith.constant 4096 : i32
    %mul3A_310 = arith.muli %arg0, %mul3A_309 : i32
    %add3A_311 = vector.broadcast %mul3A_310 : i32 to vector<1x256xi32>
    %add3A_312 = arith.addi %reshape3A_308, %add3A_311 : vector<1x256xi32>
    %get3A_313 = arith.constant 0 : index
    %get3A_314 = arith.constant 0 : index
    %get3A_315 = vector.load %arg14[%get3A_313, %get3A_314] : memref<4096x256xf32, #tpu.memory_space<vmem>>, vector<4096x256xf32>
    %eq3A_316 = vector.broadcast %reshape3A_308 : vector<1x256xi32> to vector<4096x256xi32>
    %eq3A_317 = arith.cmpi eq, %iota3A, %eq3A_316 : vector<4096x256xi32>
    %jit3A_318 = arith.constant 0x7F800000 : f32
    %broadcast_in_dim3A_319 = vector.broadcast %jit3A_318 : f32 to vector<4096x256xf32>
    %select_n3A_320 = arith.select %eq3A_317, %broadcast_in_dim3A_319, %get3A_315 : vector<4096x256xi1>, vector<4096x256xf32>
    %swap3A_321 = arith.constant 0 : index
    %swap3A_322 = arith.constant 0 : index
    %swap3A_323 = vector.load %arg14[%swap3A_321, %swap3A_322] : memref<4096x256xf32, #tpu.memory_space<vmem>>, vector<4096x256xf32>
    tpu.vector_store %arg14[%swap3A_321, %swap3A_322], %select_n3A_320 {strides = array<i32>} : memref<4096x256xf32, #tpu.memory_space<vmem>>, vector<4096x256xf32>,
    %argmin3A_324 = tpu.reduce_index %select_n3A_320 {axis = 0 : i32, kind = #tpu.reduction_kind<arg_min>} : vector<4096x256xf32> -> vector<256xi32>
    %reshape3A_325 = vector.shape_cast %argmin3A_324 : vector<256xi32> to vector<1x256xi32>
    %mul3A_326 = arith.constant 4096 : i32
    %mul3A_327 = arith.muli %arg0, %mul3A_326 : i32
    %add3A_328 = vector.broadcast %mul3A_327 : i32 to vector<1x256xi32>
    %add3A_329 = arith.addi %reshape3A_325, %add3A_328 : vector<1x256xi32>
    %concatenate3A_330 = tpu.concatenate %add3A_77, %add3A_91, %add3A_108, %add3A_125, %add3A_142, %add3A_159, %add3A_176, %add3A_193, %add3A_210, %add3A_227, %add3A_244, %add3A_261, %add3A_278, %add3A_295, %add3A_312, %add3A_329 in 0 : vector<1x256xi32>, vector<1x256xi32>, vector<1x256xi32>, vector<1x256xi32>, vector<1x256xi32>, vector<1x256xi32>, vector<1x256xi32>, vector<1x256xi32>, vector<1x256xi32>, vector<1x256xi32>, vector<1x256xi32>, vector<1x256xi32>, vector<1x256xi32>, vector<1x256xi32>, vector<1x256xi32>, vector<1x256xi32> -> vector<16x256xi32>
    %swap3A_331 = arith.constant 0 : index
    %swap3A_332 = arith.constant 0 : index
    %swap3A_333 = arith.constant 0 : index
    %swap3A_334 = vector.load %arg12[%swap3A_331, %swap3A_332, %swap3A_333] : memref<1x16x256xi32, #tpu.memory_space<vmem>>, vector<1x16x256xi32>
    %swap3A_335 = vector.shape_cast %swap3A_334 : vector<1x16x256xi32> to vector<16x256xi32>
    %swap3A_336 = vector.shape_cast %concatenate3A_330 : vector<16x256xi32> to vector<1x16x256xi32>
    tpu.vector_store %arg12[%swap3A_331, %swap3A_332, %swap3A_333], %swap3A_336 {strides = array<i32>} : memref<1x16x256xi32, #tpu.memory_space<vmem>>, vector<1x16x256xi32>,
    return
  }
  func.func @transform_0(%arg0: i32, %arg1: i32) -> (i32, i32) {
    %mul3A = arith.constant 16 : i32
    %mul3A_0 = arith.muli %arg0, %mul3A : i32
    %add3A = arith.addi %mul3A_0, %arg1 : i32
    %c0_i32 = arith.constant 0 : i32
    %c0_i32_1 = arith.constant 0 : i32
    return %add3A, %c0_i32 : i32, i32
  }
  func.func @transform_1(%arg0: i32, %arg1: i32) -> (i32, i32, i32) {
    %c0_i32 = arith.constant 0 : i32
    %c0_i32_0 = arith.constant 0 : i32
    %c0_i32_1 = arith.constant 0 : i32
    return %arg0, %c0_i32, %c0_i32_0 : i32, i32, i32
  }
  func.func @transform_2(%arg0: i32, %arg1: i32) -> (i32, i32, i32) {
    %c0_i32 = arith.constant 0 : i32
    %c0_i32_0 = arith.constant 0 : i32
    return %arg0, %c0_i32, %arg1 : i32, i32, i32
  }
  func.func @transform_3(%arg0: i32, %arg1: i32) -> (i32, i32) {
    %mul3A = arith.constant 16 : i32
    %mul3A_0 = arith.muli %arg0, %mul3A : i32
    %add3A = arith.addi %mul3A_0, %arg1 : i32
    %c0_i32 = arith.constant 0 : i32
    %c0_i32_1 = arith.constant 0 : i32
    return %add3A, %c0_i32 : i32, i32
  }
  func.func @transform_4(%arg0: i32, %arg1: i32) -> (i32, i32) {
    %c0_i32 = arith.constant 0 : i32
    %c0_i32_0 = arith.constant 0 : i32
    %c0_i32_1 = arith.constant 0 : i32
    return %c0_i32, %c0_i32_0 : i32, i32
  }
  func.func @transform_5(%arg0: i32, %arg1: i32) -> (i32, i32) {
    %c0_i32 = arith.constant 0 : i32
    %c0_i32_0 = arith.constant 0 : i32
    %c0_i32_1 = arith.constant 0 : i32
    return %c0_i32, %c0_i32_0 : i32, i32
  }
  func.func @transform_6(%arg0: i32, %arg1: i32) -> (i32, i32) {
    %c0_i32 = arith.constant 0 : i32
    %c0_i32_0 = arith.constant 0 : i32
    %c0_i32_1 = arith.constant 0 : i32
    return %c0_i32, %c0_i32_0 : i32, i32
  }
  func.func @transform_7(%arg0: i32, %arg1: i32) -> (i32, i32) {
    %c0_i32 = arith.constant 0 : i32
    %c0_i32_0 = arith.constant 0 : i32
    %c0_i32_1 = arith.constant 0 : i32
    return %c0_i32, %c0_i32_0 : i32, i32
  }
  func.func @transform_8(%arg0: i32, %arg1: i32) -> (i32, i32) {
    %c0_i32 = arith.constant 0 : i32
    %c0_i32_0 = arith.constant 0 : i32
    %c0_i32_1 = arith.constant 0 : i32
    return %c0_i32, %c0_i32_0 : i32, i32
  }
  func.func @transform_9(%arg0: i32, %arg1: i32) -> (i32, i32) {
    %mul3A = arith.constant 16 : i32
    %mul3A_0 = arith.muli %arg0, %mul3A : i32
    %add3A = arith.addi %mul3A_0, %arg1 : i32
    %c0_i32 = arith.constant 0 : i32
    %c0_i32_1 = arith.constant 0 : i32
    return %add3A, %c0_i32 : i32, i32
  }
  func.func @transform_10(%arg0: i32, %arg1: i32) -> (i32, i32, i32) {
    %c0_i32 = arith.constant 0 : i32
    %c0_i32_0 = arith.constant 0 : i32
    return %arg0, %c0_i32, %arg1 : i32, i32, i32
  }
  func.func @transform_11(%arg0: i32, %arg1: i32) -> (i32, i32) {
    %mul3A = arith.constant 16 : i32
    %mul3A_0 = arith.muli %arg0, %mul3A : i32
    %add3A = arith.addi %mul3A_0, %arg1 : i32
    %c0_i32 = arith.constant 0 : i32
    %c0_i32_1 = arith.constant 0 : i32
    return %add3A, %c0_i32 : i32, i32
  }
}

module attributes {stable_mosaic.version = 14 : i64} {
  func.func @_stage2_body(%arg0: i32, %arg1: i32, %arg2: i32, %arg3: memref<4096x128xf32, #tpu.memory_space<vmem>>, %arg4: memref<4096x2xf32, #tpu.memory_space<vmem>>, %arg5: memref<4096x32xf32, #tpu.memory_space<vmem>>, %arg6: memref<4096x128xf32, #tpu.memory_space<vmem>>, %arg7: memref<1x32xf32, #tpu.memory_space<vmem>>, %arg8: memref<64x64xf32, #tpu.memory_space<vmem>>, %arg9: memref<1x64xf32, #tpu.memory_space<vmem>>, %arg10: memref<64x64xf32, #tpu.memory_space<vmem>>, %arg11: memref<1x64xf32, #tpu.memory_space<vmem>>, %arg12: memref<64x128xf32, #tpu.memory_space<vmem>>, %arg13: memref<1x128xf32, #tpu.memory_space<vmem>>, %arg14: memref<128x128xf32, #tpu.memory_space<vmem>>, %arg15: memref<1x128xf32, #tpu.memory_space<vmem>>, %arg16: memref<4096x128xf32, #tpu.memory_space<vmem>>, %arg17: memref<4096x64xf32, #tpu.memory_space<vmem>>) attributes {dimension_semantics = [#tpu.dimension_semantics<arbitrary>, #tpu.dimension_semantics<arbitrary>, #tpu.dimension_semantics<arbitrary>], iteration_bounds = array<i64: 1, 1, 16>, scalar_prefetch = 0 : i64, scratch_operands = 1 : i64, tpu.core_type = #tpu.core_type<tc>, window_params = [{transform_indices = @transform_0, window_bounds = array<i64: 4096, 128>}, {transform_indices = @transform_1, window_bounds = array<i64: 4096, 2>}, {transform_indices = @transform_2, window_bounds = array<i64: 4096, 32>}, {transform_indices = @transform_3, window_bounds = array<i64: 4096, 128>}, {pipeline_mode = #tpu.pipeline_mode<synchronous>, transform_indices = @transform_4, window_bounds = array<i64: 1, 32>}, {pipeline_mode = #tpu.pipeline_mode<synchronous>, transform_indices = @transform_5, window_bounds = array<i64: 64, 64>}, {pipeline_mode = #tpu.pipeline_mode<synchronous>, transform_indices = @transform_6, window_bounds = array<i64: 1, 64>}, {pipeline_mode = #tpu.pipeline_mode<synchronous>, transform_indices = @transform_7, window_bounds = array<i64: 64, 64>}, {pipeline_mode = #tpu.pipeline_mode<synchronous>, transform_indices = @transform_8, window_bounds = array<i64: 1, 64>}, {pipeline_mode = #tpu.pipeline_mode<synchronous>, transform_indices = @transform_9, window_bounds = array<i64: 64, 128>}, {pipeline_mode = #tpu.pipeline_mode<synchronous>, transform_indices = @transform_10, window_bounds = array<i64: 1, 128>}, {pipeline_mode = #tpu.pipeline_mode<synchronous>, transform_indices = @transform_11, window_bounds = array<i64: 128, 128>}, {pipeline_mode = #tpu.pipeline_mode<synchronous>, transform_indices = @transform_12, window_bounds = array<i64: 1, 128>}, {transform_indices = @transform_13, window_bounds = array<i64: 4096, 128>}]} {
    %eq3A = arith.constant 0 : i32
    %eq3A_0 = arith.cmpi eq, %arg2, %eq3A : i32
    %convert_element_type3A = arith.extui %eq3A_0 : i1 to i32
    %cond3A = arith.constant 0 : i32
    %cond3A_1 = arith.cmpi ne, %convert_element_type3A, %cond3A : i32
    scf.if %cond3A_1 {
      %broadcast_in_dim3A_56 = arith.constant 0.000000e+00 : f32
      %broadcast_in_dim3A_57 = vector.broadcast %broadcast_in_dim3A_56 : f32 to vector<4096x64xf32>
      %swap3A_58 = arith.constant 0 : index
      %swap3A_59 = arith.constant 0 : index
      %swap3A_60 = vector.load %arg17[%swap3A_58, %swap3A_59] : memref<4096x64xf32, #tpu.memory_space<vmem>>, vector<4096x64xf32>
      tpu.vector_store %arg17[%swap3A_58, %swap3A_59], %broadcast_in_dim3A_57 {strides = array<i32>} : memref<4096x64xf32, #tpu.memory_space<vmem>>, vector<4096x64xf32>,
    } else {
    }
    %get3A = arith.constant 0 : index
    %get3A_2 = arith.constant 0 : index
    %get3A_3 = vector.load %arg3[%get3A, %get3A_2] : memref<4096x128xf32, #tpu.memory_space<vmem>>, vector<4096x128xf32>
    %slice3A = vector.extract_strided_slice %get3A_3 {offsets = [0, 0], sizes = [4096, 32], strides = [1, 1]} : vector<4096x128xf32> to vector<4096x32xf32>
    %slice3A_4 = vector.extract_strided_slice %get3A_3 {offsets = [0, 32], sizes = [4096, 32], strides = [1, 1]} : vector<4096x128xf32> to vector<4096x32xf32>
    %slice3A_5 = vector.extract_strided_slice %get3A_3 {offsets = [0, 64], sizes = [4096, 2], strides = [1, 1]} : vector<4096x128xf32> to vector<4096x2xf32>
    %get3A_6 = arith.constant 0 : index
    %get3A_7 = arith.constant 0 : index
    %get3A_8 = vector.load %arg4[%get3A_6, %get3A_7] : memref<4096x2xf32, #tpu.memory_space<vmem>>, vector<4096x2xf32>
    %sub3A = arith.subf %get3A_8, %slice3A_5 : vector<4096x2xf32>
    %slice3A_9 = vector.extract_strided_slice %sub3A {offsets = [0, 0], sizes = [4096, 1], strides = [1, 1]} : vector<4096x2xf32> to vector<4096x1xf32>
    %slice3A_10 = vector.extract_strided_slice %sub3A {offsets = [0, 0], sizes = [4096, 1], strides = [1, 1]} : vector<4096x2xf32> to vector<4096x1xf32>
    %mul3A = arith.mulf %slice3A_9, %slice3A_10 : vector<4096x1xf32>
    %slice3A_11 = vector.extract_strided_slice %sub3A {offsets = [0, 1], sizes = [4096, 1], strides = [1, 1]} : vector<4096x2xf32> to vector<4096x1xf32>
    %slice3A_12 = vector.extract_strided_slice %sub3A {offsets = [0, 1], sizes = [4096, 1], strides = [1, 1]} : vector<4096x2xf32> to vector<4096x1xf32>
    %mul3A_13 = arith.mulf %slice3A_11, %slice3A_12 : vector<4096x1xf32>
    %add3A = arith.addf %mul3A, %mul3A_13 : vector<4096x1xf32>
    %add3A_14 = arith.constant 9.99999996E-13 : f32
    %add3A_15 = vector.broadcast %add3A_14 : f32 to vector<4096x1xf32>
    %add3A_16 = arith.addf %add3A, %add3A_15 : vector<4096x1xf32>
    %sqrt3A = math.sqrt %add3A_16 : vector<4096x1xf32>
    %get3A_17 = arith.constant 0 : index
    %get3A_18 = arith.constant 0 : index
    %get3A_19 = vector.load %arg5[%get3A_17, %get3A_18] : memref<4096x32xf32, #tpu.memory_space<vmem>>, vector<4096x32xf32>
    %add3A_20 = arith.addf %get3A_19, %slice3A_4 : vector<4096x32xf32>
    %get3A_21 = arith.constant 0 : index
    %get3A_22 = arith.constant 0 : index
    %get3A_23 = vector.load %arg7[%get3A_21, %get3A_22] : memref<1x32xf32, #tpu.memory_space<vmem>>, vector<1x32xf32>
    %mul3A_24 = vector.broadcast %sqrt3A : vector<4096x1xf32> to vector<4096x32xf32>
    %mul3A_25 = vector.broadcast %get3A_23 : vector<1x32xf32> to vector<4096x32xf32>
    %mul3A_26 = arith.mulf %mul3A_24, %mul3A_25 : vector<4096x32xf32>
    %add3A_27 = arith.addf %add3A_20, %mul3A_26 : vector<4096x32xf32>
    %max3A = arith.constant 0.000000e+00 : f32
    %max3A_28 = vector.broadcast %max3A : f32 to vector<4096x32xf32>
    %max3A_29 = arith.maximumf %add3A_27, %max3A_28 : vector<4096x32xf32>
    %concatenate3A = tpu.concatenate %slice3A, %max3A_29 in 1 : vector<4096x32xf32>, vector<4096x32xf32> -> vector<4096x64xf32>
    %get3A_30 = arith.constant 0 : index
    %get3A_31 = arith.constant 0 : index
    %get3A_32 = vector.load %arg8[%get3A_30, %get3A_31] : memref<64x64xf32, #tpu.memory_space<vmem>>, vector<64x64xf32>
    %dot_general3A = arith.constant dense<0.000000e+00> : vector<4096x64xf32>
    %dot_general3A_33 = tpu.matmul %concatenate3A, %get3A_32, %dot_general3A {dimension_numbers = #tpu.dot_dimension_numbers<[1], [0], [0], [1], [0, 0, 1, 1], [], []>, transpose_lhs_hint = false} : vector<4096x64xf32>, vector<64x64xf32>, vector<4096x64xf32> -> vector<4096x64xf32>
    %get3A_34 = arith.constant 0 : index
    %get3A_35 = arith.constant 0 : index
    %get3A_36 = vector.load %arg9[%get3A_34, %get3A_35] : memref<1x64xf32, #tpu.memory_space<vmem>>, vector<1x64xf32>
    %add3A_37 = vector.broadcast %get3A_36 : vector<1x64xf32> to vector<4096x64xf32>
    %add3A_38 = arith.addf %dot_general3A_33, %add3A_37 : vector<4096x64xf32>
    %exp3A = math.exp %add3A_38 : vector<4096x64xf32>
    %reduce_sum3A = arith.constant dense<0.000000e+00> : vector<4096xf32>
    %reduce_sum3A_39 = vector.multi_reduction <add>, %exp3A, %reduce_sum3A [1] : vector<4096x64xf32> to vector<4096xf32>
    %broadcast_in_dim3A = vector.shape_cast %reduce_sum3A_39 : vector<4096xf32> to vector<4096x1xf32>
    %div3A = arith.constant 1.000000e+00 : f32
    %div3A_40 = vector.broadcast %div3A : f32 to vector<4096x1xf32>
    %div3A_41 = arith.divf %div3A_40, %broadcast_in_dim3A : vector<4096x1xf32>
    %mul3A_42 = vector.broadcast %div3A_41 : vector<4096x1xf32> to vector<4096x64xf32>
    %mul3A_43 = arith.mulf %exp3A, %mul3A_42 : vector<4096x64xf32>
    %get3A_44 = arith.constant 0 : index
    %get3A_45 = arith.constant 0 : index
    %get3A_46 = vector.load %arg17[%get3A_44, %get3A_45] : memref<4096x64xf32, #tpu.memory_space<vmem>>, vector<4096x64xf32>
    %mul3A_47 = arith.mulf %concatenate3A, %mul3A_43 : vector<4096x64xf32>
    %add3A_48 = arith.addf %get3A_46, %mul3A_47 : vector<4096x64xf32>
    %swap3A = arith.constant 0 : index
    %swap3A_49 = arith.constant 0 : index
    %swap3A_50 = vector.load %arg17[%swap3A, %swap3A_49] : memref<4096x64xf32, #tpu.memory_space<vmem>>, vector<4096x64xf32>
    tpu.vector_store %arg17[%swap3A, %swap3A_49], %add3A_48 {strides = array<i32>} : memref<4096x64xf32, #tpu.memory_space<vmem>>, vector<4096x64xf32>,
    %eq3A_51 = arith.constant 15 : i32
    %eq3A_52 = arith.cmpi eq, %arg2, %eq3A_51 : i32
    %convert_element_type3A_53 = arith.extui %eq3A_52 : i1 to i32
    %cond3A_54 = arith.constant 0 : i32
    %cond3A_55 = arith.cmpi ne, %convert_element_type3A_53, %cond3A_54 : i32
    scf.if %cond3A_55 {
      %get3A_56 = arith.constant 0 : index
      %get3A_57 = arith.constant 0 : index
      %get3A_58 = vector.load %arg17[%get3A_56, %get3A_57] : memref<4096x64xf32, #tpu.memory_space<vmem>>, vector<4096x64xf32>
      %get3A_59 = arith.constant 0 : index
      %get3A_60 = arith.constant 0 : index
      %get3A_61 = vector.load %arg10[%get3A_59, %get3A_60] : memref<64x64xf32, #tpu.memory_space<vmem>>, vector<64x64xf32>
      %dot_general3A_62 = arith.constant dense<0.000000e+00> : vector<4096x64xf32>
      %dot_general3A_63 = tpu.matmul %get3A_58, %get3A_61, %dot_general3A_62 {dimension_numbers = #tpu.dot_dimension_numbers<[1], [0], [0], [1], [0, 0, 1, 1], [], []>, transpose_lhs_hint = false} : vector<4096x64xf32>, vector<64x64xf32>, vector<4096x64xf32> -> vector<4096x64xf32>
      %get3A_64 = arith.constant 0 : index
      %get3A_65 = arith.constant 0 : index
      %get3A_66 = vector.load %arg11[%get3A_64, %get3A_65] : memref<1x64xf32, #tpu.memory_space<vmem>>, vector<1x64xf32>
      %add3A_67 = vector.broadcast %get3A_66 : vector<1x64xf32> to vector<4096x64xf32>
      %add3A_68 = arith.addf %dot_general3A_63, %add3A_67 : vector<4096x64xf32>
      %max3A_69 = arith.constant 0.000000e+00 : f32
      %max3A_70 = vector.broadcast %max3A_69 : f32 to vector<4096x64xf32>
      %max3A_71 = arith.maximumf %add3A_68, %max3A_70 : vector<4096x64xf32>
      %get3A_72 = arith.constant 0 : index
      %get3A_73 = arith.constant 0 : index
      %get3A_74 = vector.load %arg12[%get3A_72, %get3A_73] : memref<64x128xf32, #tpu.memory_space<vmem>>, vector<64x128xf32>
      %dot_general3A_75 = arith.constant dense<0.000000e+00> : vector<4096x128xf32>
      %dot_general3A_76 = tpu.matmul %max3A_71, %get3A_74, %dot_general3A_75 {dimension_numbers = #tpu.dot_dimension_numbers<[1], [0], [0], [1], [0, 0, 1, 1], [], []>, transpose_lhs_hint = false} : vector<4096x64xf32>, vector<64x128xf32>, vector<4096x128xf32> -> vector<4096x128xf32>
      %get3A_77 = arith.constant 0 : index
      %get3A_78 = arith.constant 0 : index
      %get3A_79 = vector.load %arg13[%get3A_77, %get3A_78] : memref<1x128xf32, #tpu.memory_space<vmem>>, vector<1x128xf32>
      %add3A_80 = vector.broadcast %get3A_79 : vector<1x128xf32> to vector<4096x128xf32>
      %add3A_81 = arith.addf %dot_general3A_76, %add3A_80 : vector<4096x128xf32>
      %max3A_82 = arith.constant 0.000000e+00 : f32
      %max3A_83 = vector.broadcast %max3A_82 : f32 to vector<4096x128xf32>
      %max3A_84 = arith.maximumf %add3A_81, %max3A_83 : vector<4096x128xf32>
      %get3A_85 = arith.constant 0 : index
      %get3A_86 = arith.constant 0 : index
      %get3A_87 = vector.load %arg6[%get3A_85, %get3A_86] : memref<4096x128xf32, #tpu.memory_space<vmem>>, vector<4096x128xf32>
      %get3A_88 = arith.constant 0 : index
      %get3A_89 = arith.constant 0 : index
      %get3A_90 = vector.load %arg14[%get3A_88, %get3A_89] : memref<128x128xf32, #tpu.memory_space<vmem>>, vector<128x128xf32>
      %dot_general3A_91 = arith.constant dense<0.000000e+00> : vector<4096x128xf32>
      %dot_general3A_92 = tpu.matmul %get3A_87, %get3A_90, %dot_general3A_91 {dimension_numbers = #tpu.dot_dimension_numbers<[1], [0], [0], [1], [0, 0, 1, 1], [], []>, transpose_lhs_hint = false} : vector<4096x128xf32>, vector<128x128xf32>, vector<4096x128xf32> -> vector<4096x128xf32>
      %get3A_93 = arith.constant 0 : index
      %get3A_94 = arith.constant 0 : index
      %get3A_95 = vector.load %arg15[%get3A_93, %get3A_94] : memref<1x128xf32, #tpu.memory_space<vmem>>, vector<1x128xf32>
      %add3A_96 = vector.broadcast %get3A_95 : vector<1x128xf32> to vector<4096x128xf32>
      %add3A_97 = arith.addf %dot_general3A_92, %add3A_96 : vector<4096x128xf32>
      %max3A_98 = arith.constant 0.000000e+00 : f32
      %max3A_99 = vector.broadcast %max3A_98 : f32 to vector<4096x128xf32>
      %max3A_100 = arith.maximumf %add3A_97, %max3A_99 : vector<4096x128xf32>
      %add3A_101 = arith.addf %max3A_84, %max3A_100 : vector<4096x128xf32>
      %gt3A = arith.constant 0.000000e+00 : f32
      %gt3A_102 = vector.broadcast %gt3A : f32 to vector<4096x128xf32>
      %gt3A_103 = arith.cmpf ogt, %add3A_101, %gt3A_102 : vector<4096x128xf32>
      %mul3A_104 = arith.constant 2.000000e-01 : f32
      %mul3A_105 = vector.broadcast %mul3A_104 : f32 to vector<4096x128xf32>
      %mul3A_106 = arith.mulf %mul3A_105, %add3A_101 : vector<4096x128xf32>
      %select_n3A = arith.select %gt3A_103, %add3A_101, %mul3A_106 : vector<4096x128xi1>, vector<4096x128xf32>
      %swap3A_107 = arith.constant 0 : index
      %swap3A_108 = arith.constant 0 : index
      %swap3A_109 = vector.load %arg16[%swap3A_107, %swap3A_108] : memref<4096x128xf32, #tpu.memory_space<vmem>>, vector<4096x128xf32>
      tpu.vector_store %arg16[%swap3A_107, %swap3A_108], %select_n3A {strides = array<i32>} : memref<4096x128xf32, #tpu.memory_space<vmem>>, vector<4096x128xf32>,
    } else {
    }
    return
  }
  func.func @transform_0(%arg0: i32, %arg1: i32, %arg2: i32) -> (i32, i32) {
    %mul3A = arith.constant 16 : i32
    %mul3A_0 = arith.muli %arg0, %mul3A : i32
    %add3A = arith.addi %mul3A_0, %arg2 : i32
    %mul3A_1 = arith.constant 1 : i32
    %mul3A_2 = arith.muli %add3A, %mul3A_1 : i32
    %add3A_3 = arith.addi %mul3A_2, %arg1 : i32
    %c0_i32 = arith.constant 0 : i32
    %c0_i32_4 = arith.constant 0 : i32
    return %add3A_3, %c0_i32 : i32, i32
  }
  func.func @transform_1(%arg0: i32, %arg1: i32, %arg2: i32) -> (i32, i32) {
    %mul3A = arith.constant 1 : i32
    %mul3A_0 = arith.muli %arg0, %mul3A : i32
    %add3A = arith.addi %mul3A_0, %arg1 : i32
    %c0_i32 = arith.constant 0 : i32
    %c0_i32_1 = arith.constant 0 : i32
    return %add3A, %c0_i32 : i32, i32
  }
  func.func @transform_2(%arg0: i32, %arg1: i32, %arg2: i32) -> (i32, i32) {
    %mul3A = arith.constant 1 : i32
    %mul3A_0 = arith.muli %arg0, %mul3A : i32
    %add3A = arith.addi %mul3A_0, %arg1 : i32
    %c0_i32 = arith.constant 0 : i32
    %c0_i32_1 = arith.constant 0 : i32
    return %add3A, %c0_i32 : i32, i32
  }
  func.func @transform_3(%arg0: i32, %arg1: i32, %arg2: i32) -> (i32, i32) {
    %mul3A = arith.constant 1 : i32
    %mul3A_0 = arith.muli %arg0, %mul3A : i32
    %add3A = arith.addi %mul3A_0, %arg1 : i32
    %c0_i32 = arith.constant 0 : i32
    %c0_i32_1 = arith.constant 0 : i32
    return %add3A, %c0_i32 : i32, i32
  }
  func.func @transform_4(%arg0: i32, %arg1: i32, %arg2: i32) -> (i32, i32) {
    %c0_i32 = arith.constant 0 : i32
    %c0_i32_0 = arith.constant 0 : i32
    %c0_i32_1 = arith.constant 0 : i32
    return %c0_i32, %c0_i32_0 : i32, i32
  }
  func.func @transform_5(%arg0: i32, %arg1: i32, %arg2: i32) -> (i32, i32) {
    %c0_i32 = arith.constant 0 : i32
    %c0_i32_0 = arith.constant 0 : i32
    %c0_i32_1 = arith.constant 0 : i32
    return %c0_i32, %c0_i32_0 : i32, i32
  }
  func.func @transform_6(%arg0: i32, %arg1: i32, %arg2: i32) -> (i32, i32) {
    %c0_i32 = arith.constant 0 : i32
    %c0_i32_0 = arith.constant 0 : i32
    %c0_i32_1 = arith.constant 0 : i32
    return %c0_i32, %c0_i32_0 : i32, i32
  }
  func.func @transform_7(%arg0: i32, %arg1: i32, %arg2: i32) -> (i32, i32) {
    %c0_i32 = arith.constant 0 : i32
    %c0_i32_0 = arith.constant 0 : i32
    %c0_i32_1 = arith.constant 0 : i32
    return %c0_i32, %c0_i32_0 : i32, i32
  }
  func.func @transform_8(%arg0: i32, %arg1: i32, %arg2: i32) -> (i32, i32) {
    %c0_i32 = arith.constant 0 : i32
    %c0_i32_0 = arith.constant 0 : i32
    %c0_i32_1 = arith.constant 0 : i32
    return %c0_i32, %c0_i32_0 : i32, i32
  }
  func.func @transform_9(%arg0: i32, %arg1: i32, %arg2: i32) -> (i32, i32) {
    %c0_i32 = arith.constant 0 : i32
    %c0_i32_0 = arith.constant 0 : i32
    %c0_i32_1 = arith.constant 0 : i32
    return %c0_i32, %c0_i32_0 : i32, i32
  }
  func.func @transform_10(%arg0: i32, %arg1: i32, %arg2: i32) -> (i32, i32) {
    %c0_i32 = arith.constant 0 : i32
    %c0_i32_0 = arith.constant 0 : i32
    %c0_i32_1 = arith.constant 0 : i32
    return %c0_i32, %c0_i32_0 : i32, i32
  }
  func.func @transform_11(%arg0: i32, %arg1: i32, %arg2: i32) -> (i32, i32) {
    %c0_i32 = arith.constant 0 : i32
    %c0_i32_0 = arith.constant 0 : i32
    %c0_i32_1 = arith.constant 0 : i32
    return %c0_i32, %c0_i32_0 : i32, i32
  }
  func.func @transform_12(%arg0: i32, %arg1: i32, %arg2: i32) -> (i32, i32) {
    %c0_i32 = arith.constant 0 : i32
    %c0_i32_0 = arith.constant 0 : i32
    %c0_i32_1 = arith.constant 0 : i32
    return %c0_i32, %c0_i32_0 : i32, i32
  }
  func.func @transform_13(%arg0: i32, %arg1: i32, %arg2: i32) -> (i32, i32) {
    %mul3A = arith.constant 1 : i32
    %mul3A_0 = arith.muli %arg0, %mul3A : i32
    %add3A = arith.addi %mul3A_0, %arg1 : i32
    %c0_i32 = arith.constant 0 : i32
    %c0_i32_1 = arith.constant 0 : i32
    return %add3A, %c0_i32 : i32, i32
  }
}

</mosaic_0001>

<sc_bundles>
// kernel: kernel.11.cloned.1.call-start
scs
__scs_entry_jumppad:
0x0: {  	(pc) =	sbr.rel $0x88, $3  }
0x1: {  	(tag) =	ssettag $0x0;
	lr =	simm.s32 $0x1  }
0x2: {  	[smem:$0x3F93] =	sst lr;
	_ =	strace $0xD0000000  }
0x3: {  	_ = 	snop  }
0x4: {  	_ = 	snop  }
0x5: {  	_ = 	snop  }
0x6: {  	_ = 	snop  }
0x7: {  	_ = 	snop  }
__scs_overlays_trampoline_lowered:
0x8: {  	[smem:$0x3FA2] =	sst s0  }
0x9: {  	[smem:$0x3FA3] =	sst s1  }
0xa: {  	[smem:$0x3FA4] =	sst s2  }
0xb: {  	[smem:$0x3FA5] =	sst s3  }
0xc: {  	[smem:$0x3FA6] =	sst s4  }
0xd: {  	[smem:$0x3FA7] =	sst s5  }
0xe: {  	[smem:$0x3FA8] =	sst s6  }
0xf: {  	[smem:$0x3FA9] =	sst s7  }
0x10: {  	[smem:$0x3FAA] =	sst s8  }
0x11: {  	[smem:$0x3FAB] =	sst s9;
	s0 =	simm.s32 @!p0 $0x0  }
0x12: {  	s1 =	sld [smem:$0x3F91];
	s0 =	simm.s32 @p0 $0x1  }
0x13: {  	[smem:$0x3FAC] =	sst s0;
	s0 =	simm.s32 @!p1 $0x0  }
0x14: {  	s2 =	sld [smem:$0x3F90];
	s0 =	simm.s32 @p1 $0x1  }
0x15: {  	[smem:$0x3FAD] =	sst s0;
	s0 =	simm.s32 @!p2 $0x0  }
0x16: {  	s3 =	sld [smem:$0x3FDB];
	s0 =	simm.s32 @p2 $0x1  }
0x17: {  	s4 =	simm.s32 $0x1BF5;
	[smem:$0x3FAF] =	sst s0  }
0x18: {  	s0 =	sld [smem:$0x3F92];
	_ =	swait.ge [sflag:s4], $0x0  }
0x19: {  	s7 =	sld [smem:$0x3F93]  }
0x1a: {  	s8 =	sadd.s32 $0xFFFFE003, lr  }
0x1b: {  	s9 =	sadd.s32 $0xFFFFFEF7, lr;
	s5 =	simm.s32 $0xFFFFFFFF;
	p2 =	slt.u32 s8, $0xFFFFF086  }
0x1c: {  	p1 =	slt.u32 s9, $0xF7A;
	s5 =	simm.s32 @!p2 $0x0  }
0x1d: {  	s5 =	simm.s32 @p1 $0x1;
	p0 =	seq.s32 s7, s2  }
0x1e: {  	s7 =	smul.u32 @!p0 $0xF7A, s2;
	p2 =	seq.s32 @!p0 s5, $0x0  }
0x1f: {  	s9 =	smul.u32 $0xF7A, s1;
	s8 =	simm.s32 @!p0 $0x1BF5;
	p2 =	por !p2, p0  }
0x20: {  	[sflag:s8] =	ssyncset.s32 @!p0 $0xFFFFF086;
	s6 =	sadd.s32 @!p0 s3, s7;
	s7 =	simm.s32 @!p0 $0x108  }
0x21: {  	s3 =	sadd.s32 s3, s9;
	s6 =	sadd.s32 @!p0 $0x88, s6;
	s7 =	simm.s32 @p2 $0x1082  }
0x22: {  	[simem:s7], [sflag:s8] =	dma.local @!p0 [hbm:s6], $0xF7A  }
0x23: {  	s9 =	sor.u32 $0xD0000000, s2;
	s6 =	simm.s32 $0x108;
	_ =	swait.ge @!p0 [sflag:s8], $0x0  }
0x24: {  	s3 =	sadd.s32 $0x88, s3;
	s6 =	simm.s32 @!p1 $0x1082;
	[sflag:s4] =	ssyncset.s32 $0xFFFFF086  }
0x25: {  	[simem:s6], [sflag:s4] =	dma.local [hbm:s3], $0xF7A  }
0x26: {  	[smem:$0x3F93] =	sst s1;
	(tag) =	ssettag s2;
	_ =	strace s9  }
0x27: {  	s1 =	sld [smem:$0x3FA3]  }
0x28: {  	s2 =	sld [smem:$0x3FA4]  }
0x29: {  	s4 =	sld [smem:$0x3FA6]  }
0x2a: {  	p0 =	seq.s32 s5, $0x0;
	s5 =	sld [smem:$0x3FA7]  }
0x2b: {  	s6 =	sld [smem:$0x3FA8]  }
0x2c: {  	s7 =	sld [smem:$0x3FA9]  }
0x2d: {  	s3 =	simm.s32 $0x108;
	s8 =	sld [smem:$0x3FAA]  }
0x2e: {  	s3 =	simm.s32 @!p0 $0x1082;
	s9 =	sld [smem:$0x3FAB]  }
0x2f: {  	lr =	sadd.s32 s0, s3;
	s0 =	sld [smem:$0x3FA2]  }
0x30: {  	s3 =	sld [smem:$0x3FA5]  }
0x31: {  	[smem:$0x3FAE] =	sst s10  }
0x32: {  	s10 =	sld [smem:$0x3FAC];
	_ =	sdelay $0x3  }
0x33: {  	p0 =	seq.s32 s10, $0x1;
	s10 =	sld [smem:$0x3FAE];
	_ =	sdelay $0x3  }
0x34: {  	[smem:$0x3FAE] =	sst s10  }
0x35: {  	s10 =	sld [smem:$0x3FAD];
	_ =	sdelay $0x3  }
0x36: {  	p1 =	seq.s32 s10, $0x1;
	s10 =	sld [smem:$0x3FAE];
	_ =	sdelay $0x3  }
0x37: {  	[smem:$0x3FAE] =	sst s10  }
0x38: {  	s10 =	sld [smem:$0x3FAF]  }
0x39: {  	_ = 	snop;
	(pc) =	sbr.ind lr, $3  }
0x3a: {  	_ = 	snop  }
0x3b: {  	_ = 	snop  }
0x3c: {  	p2 =	seq.s32 s10, $0x1;
	s10 =	sld [smem:$0x3FAE]  }
0x3d: {  	_ =	shalt  }
0x3e: {  	_ =	shalt  }
0x3f: {  	_ =	shalt  }
0x40: {  	_ =	shalt  }
0x41: {  	_ =	shalt  }
0x42: {  	_ =	shalt  }
0x43: {  	_ =	shalt  }
0x44: {  	_ =	shalt  }
0x45: {  	_ =	shalt  }
0x46: {  	_ =	shalt  }
0x47: {  	_ =	shalt  }
0x48: {  	_ =	shalt  }
0x49: {  	_ =	shalt  }
0x4a: {  	_ =	shalt  }
0x4b: {  	_ =	shalt  }
0x4c: {  	_ =	shalt  }
0x4d: {  	_ =	shalt  }
0x4e: {  	_ =	shalt  }
0x4f: {  	_ =	shalt  }
0x50: {  	_ =	shalt  }
0x51: {  	_ =	shalt  }
0x52: {  	_ =	shalt  }
0x53: {  	_ =	shalt  }
0x54: {  	_ =	shalt  }
0x55: {  	_ =	shalt  }
0x56: {  	_ =	shalt  }
0x57: {  	_ =	shalt  }
0x58: {  	_ =	shalt  }
0x59: {  	_ =	shalt  }
0x5a: {  	_ =	shalt  }
0x5b: {  	_ =	shalt  }
0x5c: {  	_ =	shalt  }
0x5d: {  	_ =	shalt  }
0x5e: {  	_ =	shalt  }
0x5f: {  	_ =	shalt  }
0x60: {  	_ =	shalt  }
0x61: {  	_ =	shalt  }
0x62: {  	_ =	shalt  }
0x63: {  	_ =	shalt  }
0x64: {  	_ =	shalt  }
0x65: {  	_ =	shalt  }
0x66: {  	_ =	shalt  }
0x67: {  	_ =	shalt  }
0x68: {  	_ =	shalt  }
0x69: {  	_ =	shalt  }
0x6a: {  	_ =	shalt  }
0x6b: {  	_ =	shalt  }
0x6c: {  	_ =	shalt  }
0x6d: {  	_ =	shalt  }
0x6e: {  	_ =	shalt  }
0x6f: {  	_ =	shalt  }
0x70: {  	_ =	shalt  }
0x71: {  	_ =	shalt  }
0x72: {  	_ =	shalt  }
0x73: {  	_ =	shalt  }
0x74: {  	_ =	shalt  }
0x75: {  	_ =	shalt  }
0x76: {  	_ =	shalt  }
0x77: {  	_ =	shalt  }
0x78: {  	_ =	shalt  }
0x79: {  	_ =	shalt  }
0x7a: {  	_ =	shalt  }
0x7b: {  	_ =	shalt  }
0x7c: {  	_ =	shalt  }
0x7d: {  	_ =	shalt  }
0x7e: {  	_ =	shalt  }
0x7f: {  	_ =	shalt  }
0x80: {  	_ =	shalt  }
0x81: {  	_ =	shalt  }
0x82: {  	_ =	shalt  }
0x83: {  	_ =	shalt  }
0x84: {  	_ =	shalt  }
0x85: {  	_ =	shalt  }
0x86: {  	_ =	shalt  }
0x87: {  	_ =	shalt  }
.Lfunc_end0:
.L_simem_size_0:
called_computation.1_lowered:
.L_overlay_start_0:
0x88: {  	s2 =	sld [smem:$0x3FD9]  }
0x89: {  	s3 =	sld [smem:$0x3FFE];
	_ =	sdelay $0x1  }
0x8a: {  	s1 =	srdreg.scid  }
0x8b: {  	s0 =	sand.u32 $0x1, s1  }
0x8c: {  	s17 =	sshll.u32 s0, $0xA;
	s2 =	sadd.s32 s3, s2  }
0x8d: {  	s2 =	sadd.s32 s2, s17  }
0x8e: {  	[smem:$0x3FBA] =	sst s2  }
0x8f: {  	_ = 	snop  }
0x90: {  	s2 =	sld [smem:$0x3FD0];
	(tm) =	ssettm $0x1  }
0x91: {  	s18 =	sld [smem:$0x3FFB];
	_ =	sdelay $0x3  }
0x92: {  	_ =	strace s18  }
0x93: {  	s3 =	sld [smem:$0x3FFC];
	_ =	sdelay $0x3  }
0x94: {  	_ =	strace s3  }
0x95: {  	s3 =	sld [smem:$0x3FFD];
	_ =	sdelay $0x3  }
0x96: {  	_ =	strace s3  }
0x97: {  	_ =	strace $0x8FFFFFFF  }
0x98: {  	s19 =	sld [smem:$0x3FDB];
	_ =	sdelay $0x1  }
0x99: {  	s4 =	simm.s32 $_scs_section_size  }
0x9a: {  	s5 =	simm.s32 $_size__tile_overlayer_lowered;
	s6 =	simm.s32 $_tile_overlayer_lowered  }
0x9b: {  	s22 =	simm.s32 $0x1BFF;
	s21 =	sshll.u32 s6, $0x1;
	s3 =	sadd.s32 s4, s19  }
0x9c: {  	s7 =	simm.s32 $0x0;
	s20 =	sshll.u32 s5, $0x1;
	s5 =	sadd.s32 s21, s3  }
0x9d: {  	[timem:s7], [sflag:s22] =	dma.local [hbm:s5], s20  }
0x9e: {  	_ =	swait.ge [sflag:s22], s20  }
0x9f: {  	s4 =	ssub.s32 $0x0, s20;
	[sflag:s22] =	ssyncset.done $0x0  }
0xa0: {  	[sflag:s22] =	ssyncadd.s32 s4;
	_ =	sdelay $0x1  }
0xa1: {  	s23 =	simm.s32 $0x1B8B  }
0xa2: {  	_ =	swait.ge [sflag:s23], $0x1  }
0xa3: {  	[sflag:s23] =	ssyncset.done $0x0  }
0xa4: {  	s25 =	simm.s32 $0x1B8E;
	s24 =	sld [smem:$0x3FFE];
	[sflag:s23] =	ssyncadd.s32 $0xFFFFFFFF  }
0xa5: {  	s26 =	simm.s32 $execute0_lowered;
	[smem:$0x3FD2] =	sst s25  }
0xa6: {  	s5 =	sshll.u32 s26, $0x1;
	_ =	strace $0x80000046;
	[dreg:$0x1] =	wrdreg $0xFFFFFFFF  }
0xa7: {  	s28 =	simm.s32 $_size_execute0_lowered;
	s3 =	sadd.s32 s3, s5;
	[dreg:$0x0] =	wrdreg $0x0  }
0xa8: {  	s5 =	sshll.u32 s28, $0x1;
	[dreg:$0x2] =	wrdreg s3  }
0xa9: {  	[dreg:$0x3] =	wrdreg s5  }
0xaa: {  	[dreg:$0x4] =	wrdreg $0xC0  }
0xab: {  	_ =	task [dreg:s7], $0x5FFFF  }
0xac: {  	[dreg:$0x1] =	wrdreg $0xFFFFFFFF  }
0xad: {  	[dreg:$0x0] =	wrdreg $0x60  }
0xae: {  	[dreg:$0x2] =	wrdreg s24  }
0xaf: {  	[dreg:$0x3] =	wrdreg s2  }
0xb0: {  	[dreg:$0x4] =	wrdreg $0xA  }
0xb1: {  	_ =	task.clear_ibuf [dreg:s7], $0x5FFFF;
	_ =	strace $0x90000046  }
0xb2: {  	s29 =	simm.s32 $0xA;
	_ =	strace $0x80000048  }
0xb3: {  	_ =	swait.ge [sflag:s29], $0x1  }
0xb4: {  	[sflag:s29] =	ssyncadd.s32 $0xFFFFFFFF  }
0xb5: {  	_ =	strace $0x90000048  }
0xb6: {  	_ =	sfence  }
0xb7: {  	s30 =	sld [smem:$0x0];
	_ =	sdelay $0x2  }
0xb8: {  	s31 =	sshll.u32 s1, $0xD;
	s1 =	sshrl.u32 s1, $0x2  }
0xb9: {  	s3 =	sand.u32 $0x4000, s31;
	s1 =	sadd.s32 s1, s30  }
0xba: {  	s0 =	sor.u32 s3, s0;
	s1 =	sshll.u32 s1, $0x11  }
0xbb: {  	s0 =	sor.u32 s1, s0  }
0xbc: {  	s0 =	sadd.s32 $0x8F2B, s0  }
0xbd: {  	[sflag:s0] =	ssyncadd.remote.s32 $0x1  }
0xbe: {  	_ =	sfence.sel $0xFFFF  }
0xbf: {  	[dreg:$0x0] =	wrdreg $0xFFFFFFFF;
	(pc) =	sbr.abs _section_cstart, $3  }
0xc0: {  	[dreg:$0x1] =	wrdreg $0xFFFFFFFF  }
0xc1: {  	_ =	task.clear_ibuf [dreg:s7], $0x2FFFF;
	_ =	strace $0x9FFFFFFF  }
0xc2: {  	(tm) =	ssettm $0x7FFFFFFF  }
0xc3: {  	_ =	shalt  }
tec
execute0_lowered:
.L_overlay_start_1:
0x0: {  	(tag) =	ssettag $0x1  }
0x1: {  	s4 =	rddreg [dreg:$0x0]  }
0x2: {  	s1 =	rddreg [dreg:$0x1]  }
0x3: {  	s0 =	rddreg [dreg:$0x2];
	s3 =	simm.s32 $0x0;
	s5 =	srdreg.scid  }
0x4: {  	s2 =	stileid.u32;
	s10 =	simm.s32 $0x4800;
	s11 =	simm.s32 $0x8800  }
0x5: {  	s12 =	simm.s32 $0xC800;
	s13 =	simm.s32 $0x1;
	s14 =	simm.s32 $0x2  }
0x6: {  	s15 =	simm.s32 $0x0;
	[smem:$0x7FF] =	sst s3;
	s5 =	sand.u32 $0x1, s5  }
0x7: {  	s6 =	sshll.u32 s2, $0x9;
	s30 =	sshll.u32 s2, $0x10;
	_ =	strace $0x80000047  }
0x8: {  	s7 =	sshll.u32 s5, $0x8;
	s8 =	ssub.s32 $0x2, s5;
	s5 =	sshll.u32 s5, $0xF  }
0x9: {  	s6 =	sor.u32 s7, s6;
	s7 =	sadd.s32 s30, s4;
	s9 =	sshrl.u32 s8, $0x1  }
0xa: {  	s4 =	sadd.s32 s6, s4;
	s31 =	ssub.s32 s8, s9;
	s7 =	sadd.s32 s5, s7  }
0xb: {  	s8 =	simm.s32 $0x80;
	s9 =	simm.s32 $0x800;
	s4 =	sadd.s32 $0x3200, s4  }
0xc: {  	s5 =	smax.u32 s31, $0x1;
	s6 =	sadd.s32 $0x5200, s7;
	s7 =	simm.s32 $0x3  }
.LBB2_1:
0xd: {  	[tilespmem:s3], [sflag:$0x3] =	stream.linear.gather [hbm4b:s4+s3], $0x800, $0x38;
	[tilespmem:$0x10800] =	vst v63  }
0xe: {  	_ =	swait.ge [sflag:s7], $0x800  }
0xf: {  	[sflag:s7] =	ssyncset.done $0x0  }
0x10: {  	[sflag:s7] =	ssyncadd.s32 $0xFFFFF800  }
0x11: {  	[tilespmem:s9], [sflag:$0x1] =	stream.indirect.gather [hbm4b:s1+s8], $0x80, s3, s8, $0xb8;
	[tilespmem:$0x10800] =	vst v63  }
0x12: {  	s16 =	simm.s32 $0x80  }
0x13: {  	[tilespmem:s10], [sflag:$0x1] =	stream.indirect.gather [hbm4b:s1+s8], $0x80, s16, s8, $0xb8;
	[tilespmem:$0x10800] =	vst v63  }
0x14: {  	s28 =	simm.s32 $0x100  }
0x15: {  	[tilespmem:s11], [sflag:$0x1] =	stream.indirect.gather [hbm4b:s1+s8], $0x80, s28, s8, $0xb8;
	[tilespmem:$0x10800] =	vst v63  }
0x16: {  	s29 =	simm.s32 $0x180  }
0x17: {  	[tilespmem:s12], [sflag:$0x1] =	stream.indirect.gather [hbm4b:s1+s8], $0x80, s29, s8, $0xb8;
	[tilespmem:$0x10800] =	vst v63  }
0x18: {  	_ =	swait.ge [sflag:s13], $0x4000  }
0x19: {  	[sflag:s13] =	ssyncset.done $0x0  }
0x1a: {  	[sflag:s13] =	ssyncadd.s32 $0xFFFFC000  }
0x1b: {  	_ =	swait.ge [sflag:s13], $0x4000  }
0x1c: {  	[sflag:s13] =	ssyncset.done $0x0  }
0x1d: {  	[sflag:s13] =	ssyncadd.s32 $0xFFFFC000  }
0x1e: {  	_ =	swait.ge [sflag:s13], $0x4000  }
0x1f: {  	[sflag:s13] =	ssyncset.done $0x0  }
0x20: {  	[sflag:s13] =	ssyncadd.s32 $0xFFFFC000  }
0x21: {  	_ =	swait.ge [sflag:s13], $0x4000  }
0x22: {  	[sflag:s13] =	ssyncset.done $0x0  }
0x23: {  	s30 =	sadd.s32 $0x0, s6;
	[sflag:s13] =	ssyncadd.s32 $0xFFFFC000  }
0x24: {  	[hbm4b:s30+s3] =	stream.linear.scatter [tilespmem:s9], [sflag:$0x2], $0x4000, $0x38;
	[tilespmem:$0x10800] =	vst v63  }
0x25: {  	s17 =	sadd.s32 $0x800, s30  }
0x26: {  	[hbm4b:s17+s3] =	stream.linear.scatter [tilespmem:s10], [sflag:$0x2], $0x4000, $0x38;
	[tilespmem:$0x10800] =	vst v63  }
0x27: {  	s31 =	sadd.s32 $0x1000, s30  }
0x28: {  	[hbm4b:s31+s3] =	stream.linear.scatter [tilespmem:s11], [sflag:$0x2], $0x4000, $0x38;
	[tilespmem:$0x10800] =	vst v63  }
0x29: {  	s16 =	sadd.s32 $0x1800, s30  }
0x2a: {  	[hbm4b:s16+s3] =	stream.linear.scatter [tilespmem:s12], [sflag:$0x2], $0x4000, $0x38;
	[tilespmem:$0x10800] =	vst v63  }
0x2b: {  	_ =	swait.ge [sflag:s14], $0x4000  }
0x2c: {  	[sflag:s14] =	ssyncset.done $0x0  }
0x2d: {  	[sflag:s14] =	ssyncadd.s32 $0xFFFFC000  }
0x2e: {  	_ =	swait.ge [sflag:s14], $0x4000  }
0x2f: {  	[sflag:s14] =	ssyncset.done $0x0  }
0x30: {  	[sflag:s14] =	ssyncadd.s32 $0xFFFFC000  }
0x31: {  	_ =	swait.ge [sflag:s14], $0x4000  }
0x32: {  	[sflag:s14] =	ssyncset.done $0x0  }
0x33: {  	[sflag:s14] =	ssyncadd.s32 $0xFFFFC000  }
0x34: {  	_ =	swait.ge [sflag:s14], $0x4000  }
0x35: {  	s17 =	simm.s32 $0x0;
	s16 =	simm.s32 $0x2000;
	[sflag:s14] =	ssyncset.done $0x0  }
.LBB2_2:
0x36: {  	p0 =	sne.s32 s16, $0x6000;
	[sflag:s14] =	ssyncadd.s32 $0xFFFFC000;
	s17 =	sadd.s32 $0x200, s17  }
0x37: {  	[tilespmem:s9], [sflag:$0x1] =	stream.indirect.gather [hbm4b:s1+s8], $0x80, s17, s8, $0xb8;
	[tilespmem:$0x10800] =	vst v63  }
0x38: {  	s19 =	smov.u32 s16;
	s16 =	sadd.s32 $0x2000, s16;
	s18 =	sadd.s32 $0x80, s17  }
0x39: {  	[tilespmem:s10], [sflag:$0x1] =	stream.indirect.gather [hbm4b:s1+s8], $0x80, s18, s8, $0xb8;
	[tilespmem:$0x10800] =	vst v63  }
0x3a: {  	s18 =	sadd.s32 $0x100, s17  }
0x3b: {  	[tilespmem:s11], [sflag:$0x1] =	stream.indirect.gather [hbm4b:s1+s8], $0x80, s18, s8, $0xb8;
	[tilespmem:$0x10800] =	vst v63  }
0x3c: {  	s18 =	sadd.s32 $0x180, s17  }
0x3d: {  	[tilespmem:s12], [sflag:$0x1] =	stream.indirect.gather [hbm4b:s1+s8], $0x80, s18, s8, $0xb8;
	[tilespmem:$0x10800] =	vst v63  }
0x3e: {  	_ =	swait.ge [sflag:s13], $0x4000  }
0x3f: {  	[sflag:s13] =	ssyncset.done $0x0  }
0x40: {  	[sflag:s13] =	ssyncadd.s32 $0xFFFFC000  }
0x41: {  	_ =	swait.ge [sflag:s13], $0x4000  }
0x42: {  	[sflag:s13] =	ssyncset.done $0x0  }
0x43: {  	[sflag:s13] =	ssyncadd.s32 $0xFFFFC000  }
0x44: {  	_ =	swait.ge [sflag:s13], $0x4000  }
0x45: {  	[sflag:s13] =	ssyncset.done $0x0  }
0x46: {  	[sflag:s13] =	ssyncadd.s32 $0xFFFFC000  }
0x47: {  	_ =	swait.ge [sflag:s13], $0x4000  }
0x48: {  	[sflag:s13] =	ssyncset.done $0x0  }
0x49: {  	s18 =	sadd.s32 s19, s6;
	[sflag:s13] =	ssyncadd.s32 $0xFFFFC000  }
0x4a: {  	[hbm4b:s18+s3] =	stream.linear.scatter [tilespmem:s9], [sflag:$0x2], $0x4000, $0x38;
	[tilespmem:$0x10800] =	vst v63  }
0x4b: {  	s19 =	sadd.s32 $0x800, s18  }
0x4c: {  	[hbm4b:s19+s3] =	stream.linear.scatter [tilespmem:s10], [sflag:$0x2], $0x4000, $0x38;
	[tilespmem:$0x10800] =	vst v63  }
0x4d: {  	s19 =	sadd.s32 $0x1000, s18  }
0x4e: {  	[hbm4b:s19+s3] =	stream.linear.scatter [tilespmem:s11], [sflag:$0x2], $0x4000, $0x38;
	[tilespmem:$0x10800] =	vst v63  }
0x4f: {  	s18 =	sadd.s32 $0x1800, s18  }
0x50: {  	[hbm4b:s18+s3] =	stream.linear.scatter [tilespmem:s12], [sflag:$0x2], $0x4000, $0x38;
	[tilespmem:$0x10800] =	vst v63  }
0x51: {  	_ =	swait.ge [sflag:s14], $0x4000  }
0x52: {  	[sflag:s14] =	ssyncset.done $0x0  }
0x53: {  	[sflag:s14] =	ssyncadd.s32 $0xFFFFC000  }
0x54: {  	_ =	swait.ge [sflag:s14], $0x4000  }
0x55: {  	[sflag:s14] =	ssyncset.done $0x0  }
0x56: {  	[sflag:s14] =	ssyncadd.s32 $0xFFFFC000  }
.Ltmp0:
0x57: {  	_ =	swait.ge [sflag:s14], $0x4000;
	(pc) =	sbr.rel @p0 .LBB2_2-.Ltmp0, $4  }
0x58: {  	[sflag:s14] =	ssyncset.done $0x0  }
0x59: {  	[sflag:s14] =	ssyncadd.s32 $0xFFFFC000  }
0x5a: {  	_ =	swait.ge [sflag:s14], $0x4000  }
0x5b: {  	[sflag:s14] =	ssyncset.done $0x0  }
0x5c: {  	s15 =	sadd.s32 $0x1, s15  }
0x5d: {  	p0 =	sne.s32 s15, s5  }
.Ltmp1:
0x5e: {  	_ = 	snop;
	(pc) =	sbr.rel @p0 .LBB2_1-.Ltmp1, $2  }
0x5f: {  	_ =	sdelay $0x2  }
0x60: {  	[sflag:s14] =	ssyncadd.s32 $0xFFFFC000  }
0x61: {  	_ =	sfence.sel $0x180000  }
0x62: {  	[bflag:$0x0] =	sbarrier.arrive $0xFFFF  }
0x63: {  	p0 =	sne.s32 s2, $0x0;
	_ =	strace $0x90000047  }
0x64: {  	s0 =	sadd.s32 @!p0 $0x100000, s0;
	[bflag:$0x2] =	sbarrier.arrive $0xFFFF  }
0x65: {  	[sflag:s0] =	ssyncadd.tile.s32 @!p0 $0x1;
	_ =	shalt  }
.Lfunc_end2:
_tile_overlayer_lowered:
.L_overlay_start_2:
0x66: {  	(tag) =	ssettag $0x2  }
0x67: {  	s0 =	rddreg [dreg:$0x0];
	s2 =	stileid.u32  }
0x68: {  	s1 =	rddreg [dreg:$0x1];
	p0 =	sne.s32 s2, $0x0  }
0x69: {  	s3 =	rddreg [dreg:$0x2];
	[bflag:$0x3] =	sbarrier.arrive $0xFFFF;
	s2 =	simm.s32 @!p0 $0x1C03  }
0x6a: {  	[timem:s3], [sflag:s2] =	dma.local @!p0 [hbm:s0], s1  }
0x6b: {  	s0 =	simm.s32 @!p0 $0x3  }
0x6c: {  	_ =	swait.ge @!p0 [sflag:s0], s1  }
0x6d: {  	s1 =	ssub.s32 @!p0 $0x0, s1;
	[sflag:s0] =	ssyncset.done @!p0 $0x0  }
0x6e: {  	[sflag:s0] =	ssyncadd.s32 @!p0 s1  }
0x6f: {  	[bflag:$0x3] =	sbarrier.arrive $0xFFFF  }
0x70: {  	_ =	shalt  }

// kernel: kernel.8.cloned.1.call-start
scs
__scs_entry_jumppad:
0x0: {  	(pc) =	sbr.rel $0x88, $3  }
0x1: {  	(tag) =	ssettag $0x0;
	lr =	simm.s32 $0x1  }
0x2: {  	[smem:$0x3F93] =	sst lr;
	_ =	strace $0xD0000000  }
0x3: {  	_ = 	snop  }
0x4: {  	_ = 	snop  }
0x5: {  	_ = 	snop  }
0x6: {  	_ = 	snop  }
0x7: {  	_ = 	snop  }
__scs_overlays_trampoline_lowered:
0x8: {  	[smem:$0x3FA2] =	sst s0  }
0x9: {  	[smem:$0x3FA3] =	sst s1  }
0xa: {  	[smem:$0x3FA4] =	sst s2  }
0xb: {  	[smem:$0x3FA5] =	sst s3  }
0xc: {  	[smem:$0x3FA6] =	sst s4  }
0xd: {  	[smem:$0x3FA7] =	sst s5  }
0xe: {  	[smem:$0x3FA8] =	sst s6  }
0xf: {  	[smem:$0x3FA9] =	sst s7  }
0x10: {  	[smem:$0x3FAA] =	sst s8  }
0x11: {  	[smem:$0x3FAB] =	sst s9;
	s0 =	simm.s32 @!p0 $0x0  }
0x12: {  	s1 =	sld [smem:$0x3F91];
	s0 =	simm.s32 @p0 $0x1  }
0x13: {  	[smem:$0x3FAC] =	sst s0;
	s0 =	simm.s32 @!p1 $0x0  }
0x14: {  	s2 =	sld [smem:$0x3F90];
	s0 =	simm.s32 @p1 $0x1  }
0x15: {  	[smem:$0x3FAD] =	sst s0;
	s0 =	simm.s32 @!p2 $0x0  }
0x16: {  	s3 =	sld [smem:$0x3FDB];
	s0 =	simm.s32 @p2 $0x1  }
0x17: {  	s4 =	simm.s32 $0x1BF5;
	[smem:$0x3FAF] =	sst s0  }
0x18: {  	s0 =	sld [smem:$0x3F92];
	_ =	swait.ge [sflag:s4], $0x0  }
0x19: {  	s7 =	sld [smem:$0x3F93]  }
0x1a: {  	s8 =	sadd.s32 $0xFFFFE003, lr  }
0x1b: {  	s9 =	sadd.s32 $0xFFFFFEF7, lr;
	s5 =	simm.s32 $0xFFFFFFFF;
	p2 =	slt.u32 s8, $0xFFFFF086  }
0x1c: {  	p1 =	slt.u32 s9, $0xF7A;
	s5 =	simm.s32 @!p2 $0x0  }
0x1d: {  	s5 =	simm.s32 @p1 $0x1;
	p0 =	seq.s32 s7, s2  }
0x1e: {  	s7 =	smul.u32 @!p0 $0xF7A, s2;
	p2 =	seq.s32 @!p0 s5, $0x0  }
0x1f: {  	s9 =	smul.u32 $0xF7A, s1;
	s8 =	simm.s32 @!p0 $0x1BF5;
	p2 =	por !p2, p0  }
0x20: {  	[sflag:s8] =	ssyncset.s32 @!p0 $0xFFFFF086;
	s6 =	sadd.s32 @!p0 s3, s7;
	s7 =	simm.s32 @!p0 $0x108  }
0x21: {  	s3 =	sadd.s32 s3, s9;
	s6 =	sadd.s32 @!p0 $0x88, s6;
	s7 =	simm.s32 @p2 $0x1082  }
0x22: {  	[simem:s7], [sflag:s8] =	dma.local @!p0 [hbm:s6], $0xF7A  }
0x23: {  	s9 =	sor.u32 $0xD0000000, s2;
	s6 =	simm.s32 $0x108;
	_ =	swait.ge @!p0 [sflag:s8], $0x0  }
0x24: {  	s3 =	sadd.s32 $0x88, s3;
	s6 =	simm.s32 @!p1 $0x1082;
	[sflag:s4] =	ssyncset.s32 $0xFFFFF086  }
0x25: {  	[simem:s6], [sflag:s4] =	dma.local [hbm:s3], $0xF7A  }
0x26: {  	[smem:$0x3F93] =	sst s1;
	(tag) =	ssettag s2;
	_ =	strace s9  }
0x27: {  	s1 =	sld [smem:$0x3FA3]  }
0x28: {  	s2 =	sld [smem:$0x3FA4]  }
0x29: {  	s4 =	sld [smem:$0x3FA6]  }
0x2a: {  	p0 =	seq.s32 s5, $0x0;
	s5 =	sld [smem:$0x3FA7]  }
0x2b: {  	s6 =	sld [smem:$0x3FA8]  }
0x2c: {  	s7 =	sld [smem:$0x3FA9]  }
0x2d: {  	s3 =	simm.s32 $0x108;
	s8 =	sld [smem:$0x3FAA]  }
0x2e: {  	s3 =	simm.s32 @!p0 $0x1082;
	s9 =	sld [smem:$0x3FAB]  }
0x2f: {  	lr =	sadd.s32 s0, s3;
	s0 =	sld [smem:$0x3FA2]  }
0x30: {  	s3 =	sld [smem:$0x3FA5]  }
0x31: {  	[smem:$0x3FAE] =	sst s10  }
0x32: {  	s10 =	sld [smem:$0x3FAC];
	_ =	sdelay $0x3  }
0x33: {  	p0 =	seq.s32 s10, $0x1;
	s10 =	sld [smem:$0x3FAE];
	_ =	sdelay $0x3  }
0x34: {  	[smem:$0x3FAE] =	sst s10  }
0x35: {  	s10 =	sld [smem:$0x3FAD];
	_ =	sdelay $0x3  }
0x36: {  	p1 =	seq.s32 s10, $0x1;
	s10 =	sld [smem:$0x3FAE];
	_ =	sdelay $0x3  }
0x37: {  	[smem:$0x3FAE] =	sst s10  }
0x38: {  	s10 =	sld [smem:$0x3FAF]  }
0x39: {  	_ = 	snop;
	(pc) =	sbr.ind lr, $3  }
0x3a: {  	_ = 	snop  }
0x3b: {  	_ = 	snop  }
0x3c: {  	p2 =	seq.s32 s10, $0x1;
	s10 =	sld [smem:$0x3FAE]  }
0x3d: {  	_ =	shalt  }
0x3e: {  	_ =	shalt  }
0x3f: {  	_ =	shalt  }
0x40: {  	_ =	shalt  }
0x41: {  	_ =	shalt  }
0x42: {  	_ =	shalt  }
0x43: {  	_ =	shalt  }
0x44: {  	_ =	shalt  }
0x45: {  	_ =	shalt  }
0x46: {  	_ =	shalt  }
0x47: {  	_ =	shalt  }
0x48: {  	_ =	shalt  }
0x49: {  	_ =	shalt  }
0x4a: {  	_ =	shalt  }
0x4b: {  	_ =	shalt  }
0x4c: {  	_ =	shalt  }
0x4d: {  	_ =	shalt  }
0x4e: {  	_ =	shalt  }
0x4f: {  	_ =	shalt  }
0x50: {  	_ =	shalt  }
0x51: {  	_ =	shalt  }
0x52: {  	_ =	shalt  }
0x53: {  	_ =	shalt  }
0x54: {  	_ =	shalt  }
0x55: {  	_ =	shalt  }
0x56: {  	_ =	shalt  }
0x57: {  	_ =	shalt  }
0x58: {  	_ =	shalt  }
0x59: {  	_ =	shalt  }
0x5a: {  	_ =	shalt  }
0x5b: {  	_ =	shalt  }
0x5c: {  	_ =	shalt  }
0x5d: {  	_ =	shalt  }
0x5e: {  	_ =	shalt  }
0x5f: {  	_ =	shalt  }
0x60: {  	_ =	shalt  }
0x61: {  	_ =	shalt  }
0x62: {  	_ =	shalt  }
0x63: {  	_ =	shalt  }
0x64: {  	_ =	shalt  }
0x65: {  	_ =	shalt  }
0x66: {  	_ =	shalt  }
0x67: {  	_ =	shalt  }
0x68: {  	_ =	shalt  }
0x69: {  	_ =	shalt  }
0x6a: {  	_ =	shalt  }
0x6b: {  	_ =	shalt  }
0x6c: {  	_ =	shalt  }
0x6d: {  	_ =	shalt  }
0x6e: {  	_ =	shalt  }
0x6f: {  	_ =	shalt  }
0x70: {  	_ =	shalt  }
0x71: {  	_ =	shalt  }
0x72: {  	_ =	shalt  }
0x73: {  	_ =	shalt  }
0x74: {  	_ =	shalt  }
0x75: {  	_ =	shalt  }
0x76: {  	_ =	shalt  }
0x77: {  	_ =	shalt  }
0x78: {  	_ =	shalt  }
0x79: {  	_ =	shalt  }
0x7a: {  	_ =	shalt  }
0x7b: {  	_ =	shalt  }
0x7c: {  	_ =	shalt  }
0x7d: {  	_ =	shalt  }
0x7e: {  	_ =	shalt  }
0x7f: {  	_ =	shalt  }
0x80: {  	_ =	shalt  }
0x81: {  	_ =	shalt  }
0x82: {  	_ =	shalt  }
0x83: {  	_ =	shalt  }
0x84: {  	_ =	shalt  }
0x85: {  	_ =	shalt  }
0x86: {  	_ =	shalt  }
0x87: {  	_ =	shalt  }
.Lfunc_end0:
.L_simem_size_0:
called_computation_lowered:
.L_overlay_start_0:
0x88: {  	s2 =	sld [smem:$0x3FD9]  }
0x89: {  	s3 =	sld [smem:$0x3FFE];
	_ =	sdelay $0x1  }
0x8a: {  	s1 =	srdreg.scid  }
0x8b: {  	s0 =	sand.u32 $0x1, s1  }
0x8c: {  	s17 =	sshll.u32 s0, $0xA;
	s2 =	sadd.s32 s3, s2  }
0x8d: {  	s2 =	sadd.s32 s2, s17  }
0x8e: {  	[smem:$0x3FBA] =	sst s2  }
0x8f: {  	_ = 	snop  }
0x90: {  	(tm) =	ssettm $0x1  }
0x91: {  	s18 =	sld [smem:$0x3FFB];
	_ =	sdelay $0x3  }
0x92: {  	_ =	strace s18  }
0x93: {  	s2 =	sld [smem:$0x3FFC];
	_ =	sdelay $0x3  }
0x94: {  	_ =	strace s2  }
0x95: {  	s2 =	sld [smem:$0x3FFD];
	_ =	sdelay $0x3  }
0x96: {  	_ =	strace s2  }
0x97: {  	_ =	strace $0x8FFFFFFF  }
0x98: {  	s19 =	sld [smem:$0x3FDB];
	_ =	sdelay $0x1  }
0x99: {  	s20 =	simm.s32 $_scs_section_size  }
0x9a: {  	s4 =	simm.s32 $_size__tile_overlayer_lowered;
	s5 =	simm.s32 $_tile_overlayer_lowered  }
0x9b: {  	s6 =	simm.s32 $0x1BFF;
	s21 =	sshll.u32 s5, $0x1;
	s3 =	sadd.s32 s20, s19  }
0x9c: {  	s22 =	simm.s32 $0x0;
	s4 =	sshll.u32 s4, $0x1;
	s5 =	sadd.s32 s21, s3  }
0x9d: {  	[timem:s22], [sflag:s6] =	dma.local [hbm:s5], s4  }
0x9e: {  	_ =	swait.ge [sflag:s6], s4  }
0x9f: {  	s4 =	ssub.s32 $0x0, s4;
	[sflag:s6] =	ssyncset.done $0x0  }
0xa0: {  	[sflag:s6] =	ssyncadd.s32 s4;
	_ =	sdelay $0x1  }
0xa1: {  	s23 =	simm.s32 $0x1B8B  }
0xa2: {  	_ =	swait.ge [sflag:s23], $0x1  }
0xa3: {  	[sflag:s23] =	ssyncset.done $0x0  }
0xa4: {  	[sflag:s23] =	ssyncadd.s32 $0xFFFFFFFF  }
0xa5: {  	s4 =	sld [smem:$0x0]  }
0xa6: {  	s5 =	sand.u32 $0xFFFFFFFE, s1  }
0xa7: {  	p0 =	sne.s32 s1, s5  }
0xa8: {  	s5 =	sshll.u32 @p0 s5, $0xE  }
0xa9: {  	s5 =	sadd.s32 @p0 $0x11B8D, s5;
	s6 =	sshll.u32 @p0 s4, $0x11  }
0xaa: {  	s5 =	sor.u32 @p0 s6, s5  }
0xab: {  	[sflag:s5] =	ssyncadd.remote.s32 @p0 $0x1;
	_ =	sdelay $0x1  }
0xac: {  	s5 =	simm.s32 @p0 $0x1B8D  }
0xad: {  	_ =	swait.eq @p0 [sflag:s5], $0x1  }
0xae: {  	[sflag:s5] =	ssyncadd.s32 @p0 $0xFFFFFFFF  }
0xaf: {  	s6 =	sshll.u32 @!p0 s1, $0xE  }
0xb0: {  	s6 =	sor.u32 @!p0 $0x4000, s6;
	s5 =	simm.s32 @!p0 $0x1B8D  }
0xb1: {  	s4 =	sshll.u32 @!p0 s4, $0x11;
	s6 =	sadd.s32 @!p0 $0x11B8D, s6;
	_ =	swait.eq @!p0 [sflag:s5], $0x1  }
0xb2: {  	s4 =	sor.u32 @!p0 s4, s6;
	[sflag:s5] =	ssyncadd.s32 @!p0 $0xFFFFFFFF  }
0xb3: {  	s25 =	simm.s32 $0x1B8E;
	s24 =	sld [smem:$0x3FFE];
	[sflag:s4] =	ssyncadd.remote.s32 @!p0 $0x1  }
0xb4: {  	s26 =	simm.s32 $execute0_lowered;
	[smem:$0x3FD2] =	sst s25  }
0xb5: {  	s5 =	sshll.u32 s26, $0x1;
	_ =	strace $0x80000049;
	[dreg:$0x1] =	wrdreg $0xFFFFFFFF  }
0xb6: {  	s28 =	simm.s32 $_size_execute0_lowered;
	s3 =	sadd.s32 s3, s5;
	[dreg:$0x0] =	wrdreg $0x0  }
0xb7: {  	s5 =	sshll.u32 s28, $0x1;
	[dreg:$0x2] =	wrdreg s3  }
0xb8: {  	[dreg:$0x3] =	wrdreg s5  }
0xb9: {  	[dreg:$0x4] =	wrdreg $0xC0  }
0xba: {  	_ =	task [dreg:s22], $0x5FFFF  }
0xbb: {  	[dreg:$0x1] =	wrdreg $0xFFFFFFFF  }
0xbc: {  	[dreg:$0x0] =	wrdreg $0x60  }
0xbd: {  	[dreg:$0x2] =	wrdreg s24  }
0xbe: {  	[dreg:$0x3] =	wrdreg $0x9  }
0xbf: {  	_ =	task.clear_ibuf [dreg:s22], $0x4FFFF;
	_ =	strace $0x90000049  }
0xc0: {  	s29 =	simm.s32 $0x9;
	_ =	strace $0x8000004B  }
0xc1: {  	_ =	swait.ge [sflag:s29], $0x1  }
0xc2: {  	[sflag:s29] =	ssyncadd.s32 $0xFFFFFFFF  }
0xc3: {  	_ =	strace $0x9000004B  }
0xc4: {  	_ =	sfence  }
0xc5: {  	s30 =	sld [smem:$0x0];
	_ =	sdelay $0x2  }
0xc6: {  	s31 =	sshll.u32 s1, $0xD;
	s1 =	sshrl.u32 s1, $0x2  }
0xc7: {  	s4 =	sand.u32 $0x4000, s31;
	s1 =	sadd.s32 s1, s30  }
0xc8: {  	s0 =	sor.u32 s4, s0;
	s1 =	sshll.u32 s1, $0x11  }
0xc9: {  	s0 =	sor.u32 s1, s0  }
0xca: {  	s0 =	sadd.s32 $0x8F2B, s0  }
0xcb: {  	[sflag:s0] =	ssyncadd.remote.s32 $0x1  }
0xcc: {  	_ =	sfence.sel $0xFFFF  }
0xcd: {  	[dreg:$0x0] =	wrdreg $0xFFFFFFFF;
	(pc) =	sbr.abs _section_cstart, $3  }
0xce: {  	[dreg:$0x1] =	wrdreg $0xFFFFFFFF  }
0xcf: {  	_ =	task.clear_ibuf [dreg:s22], $0x2FFFF;
	_ =	strace $0x9FFFFFFF  }
0xd0: {  	(tm) =	ssettm $0x7FFFFFFF  }
0xd1: {  	_ =	shalt  }
tec
execute0_lowered:
.L_overlay_start_1:
0x0: {  	(tag) =	ssettag $0x1  }
0x1: {  	s3 =	rddreg [dreg:$0x0]  }
0x2: {  	s0 =	rddreg [dreg:$0x1]  }
0x3: {  	s4 =	srdreg.scid;
	s2 =	simm.s32 $0x0;
	s1 =	stileid.u32  }
0x4: {  	s9 =	simm.s32 $0x800;
	s10 =	simm.s32 $0x4800;
	s11 =	simm.s32 $0x8800  }
0x5: {  	s12 =	simm.s32 $0xC800;
	s13 =	simm.s32 $0x1;
	s14 =	simm.s32 $0x2  }
0x6: {  	s15 =	simm.s32 $0x0;
	s4 =	sand.u32 $0x1, s4;
	[smem:$0x7FF] =	sst s2  }
0x7: {  	s5 =	sshll.u32 s1, $0x9;
	s31 =	sshll.u32 s1, $0x10;
	s6 =	sshll.u32 s4, $0x8  }
0x8: {  	_ =	strace $0x8000004A;
	s7 =	ssub.s32 $0x2, s4;
	s4 =	sshll.u32 s4, $0xF  }
0x9: {  	s5 =	sor.u32 s6, s5;
	s6 =	sadd.s32 s31, s3;
	s8 =	sshrl.u32 s7, $0x1  }
0xa: {  	s5 =	sadd.s32 s5, s3;
	s3 =	sadd.s32 $0x105200, s3;
	s7 =	ssub.s32 s7, s8  }
0xb: {  	s6 =	sadd.s32 s4, s6;
	s8 =	simm.s32 $0x80;
	s4 =	sadd.s32 $0x115200, s5  }
0xc: {  	s5 =	smax.u32 s7, $0x1;
	s6 =	sadd.s32 $0x117200, s6;
	s7 =	simm.s32 $0x3  }
.LBB2_1:
0xd: {  	[tilespmem:s2], [sflag:$0x3] =	stream.linear.gather [hbm4b:s4+s2], $0x800, $0x38;
	[tilespmem:$0x10800] =	vst v63  }
0xe: {  	_ =	swait.ge [sflag:s7], $0x800  }
0xf: {  	[sflag:s7] =	ssyncset.done $0x0  }
0x10: {  	[sflag:s7] =	ssyncadd.s32 $0xFFFFF800  }
0x11: {  	[tilespmem:s9], [sflag:$0x1] =	stream.indirect.gather [hbm4b:s3+s8], $0x80, s2, s8, $0xb8;
	[tilespmem:$0x10800] =	vst v63  }
0x12: {  	s16 =	simm.s32 $0x80  }
0x13: {  	[tilespmem:s10], [sflag:$0x1] =	stream.indirect.gather [hbm4b:s3+s8], $0x80, s16, s8, $0xb8;
	[tilespmem:$0x10800] =	vst v63  }
0x14: {  	s28 =	simm.s32 $0x100  }
0x15: {  	[tilespmem:s11], [sflag:$0x1] =	stream.indirect.gather [hbm4b:s3+s8], $0x80, s28, s8, $0xb8;
	[tilespmem:$0x10800] =	vst v63  }
0x16: {  	s29 =	simm.s32 $0x180  }
0x17: {  	[tilespmem:s12], [sflag:$0x1] =	stream.indirect.gather [hbm4b:s3+s8], $0x80, s29, s8, $0xb8;
	[tilespmem:$0x10800] =	vst v63  }
0x18: {  	_ =	swait.ge [sflag:s13], $0x4000  }
0x19: {  	[sflag:s13] =	ssyncset.done $0x0  }
0x1a: {  	[sflag:s13] =	ssyncadd.s32 $0xFFFFC000  }
0x1b: {  	_ =	swait.ge [sflag:s13], $0x4000  }
0x1c: {  	[sflag:s13] =	ssyncset.done $0x0  }
0x1d: {  	[sflag:s13] =	ssyncadd.s32 $0xFFFFC000  }
0x1e: {  	_ =	swait.ge [sflag:s13], $0x4000  }
0x1f: {  	[sflag:s13] =	ssyncset.done $0x0  }
0x20: {  	[sflag:s13] =	ssyncadd.s32 $0xFFFFC000  }
0x21: {  	_ =	swait.ge [sflag:s13], $0x4000  }
0x22: {  	[sflag:s13] =	ssyncset.done $0x0  }
0x23: {  	s30 =	sadd.s32 $0x0, s6;
	[sflag:s13] =	ssyncadd.s32 $0xFFFFC000  }
0x24: {  	[hbm4b:s30+s2] =	stream.linear.scatter [tilespmem:s9], [sflag:$0x2], $0x4000, $0x38;
	[tilespmem:$0x10800] =	vst v63  }
0x25: {  	s17 =	sadd.s32 $0x800, s30  }
0x26: {  	[hbm4b:s17+s2] =	stream.linear.scatter [tilespmem:s10], [sflag:$0x2], $0x4000, $0x38;
	[tilespmem:$0x10800] =	vst v63  }
0x27: {  	s31 =	sadd.s32 $0x1000, s30  }
0x28: {  	[hbm4b:s31+s2] =	stream.linear.scatter [tilespmem:s11], [sflag:$0x2], $0x4000, $0x38;
	[tilespmem:$0x10800] =	vst v63  }
0x29: {  	s16 =	sadd.s32 $0x1800, s30  }
0x2a: {  	[hbm4b:s16+s2] =	stream.linear.scatter [tilespmem:s12], [sflag:$0x2], $0x4000, $0x38;
	[tilespmem:$0x10800] =	vst v63  }
0x2b: {  	_ =	swait.ge [sflag:s14], $0x4000  }
0x2c: {  	[sflag:s14] =	ssyncset.done $0x0  }
0x2d: {  	[sflag:s14] =	ssyncadd.s32 $0xFFFFC000  }
0x2e: {  	_ =	swait.ge [sflag:s14], $0x4000  }
0x2f: {  	[sflag:s14] =	ssyncset.done $0x0  }
0x30: {  	[sflag:s14] =	ssyncadd.s32 $0xFFFFC000  }
0x31: {  	_ =	swait.ge [sflag:s14], $0x4000  }
0x32: {  	[sflag:s14] =	ssyncset.done $0x0  }
0x33: {  	[sflag:s14] =	ssyncadd.s32 $0xFFFFC000  }
0x34: {  	_ =	swait.ge [sflag:s14], $0x4000  }
0x35: {  	s17 =	simm.s32 $0x0;
	s16 =	simm.s32 $0x2000;
	[sflag:s14] =	ssyncset.done $0x0  }
.LBB2_2:
0x36: {  	p0 =	sne.s32 s16, $0x6000;
	[sflag:s14] =	ssyncadd.s32 $0xFFFFC000;
	s17 =	sadd.s32 $0x200, s17  }
0x37: {  	[tilespmem:s9], [sflag:$0x1] =	stream.indirect.gather [hbm4b:s3+s8], $0x80, s17, s8, $0xb8;
	[tilespmem:$0x10800] =	vst v63  }
0x38: {  	s19 =	smov.u32 s16;
	s16 =	sadd.s32 $0x2000, s16;
	s18 =	sadd.s32 $0x80, s17  }
0x39: {  	[tilespmem:s10], [sflag:$0x1] =	stream.indirect.gather [hbm4b:s3+s8], $0x80, s18, s8, $0xb8;
	[tilespmem:$0x10800] =	vst v63  }
0x3a: {  	s18 =	sadd.s32 $0x100, s17  }
0x3b: {  	[tilespmem:s11], [sflag:$0x1] =	stream.indirect.gather [hbm4b:s3+s8], $0x80, s18, s8, $0xb8;
	[tilespmem:$0x10800] =	vst v63  }
0x3c: {  	s18 =	sadd.s32 $0x180, s17  }
0x3d: {  	[tilespmem:s12], [sflag:$0x1] =	stream.indirect.gather [hbm4b:s3+s8], $0x80, s18, s8, $0xb8;
	[tilespmem:$0x10800] =	vst v63  }
0x3e: {  	_ =	swait.ge [sflag:s13], $0x4000  }
0x3f: {  	[sflag:s13] =	ssyncset.done $0x0  }
0x40: {  	[sflag:s13] =	ssyncadd.s32 $0xFFFFC000  }
0x41: {  	_ =	swait.ge [sflag:s13], $0x4000  }
0x42: {  	[sflag:s13] =	ssyncset.done $0x0  }
0x43: {  	[sflag:s13] =	ssyncadd.s32 $0xFFFFC000  }
0x44: {  	_ =	swait.ge [sflag:s13], $0x4000  }
0x45: {  	[sflag:s13] =	ssyncset.done $0x0  }
0x46: {  	[sflag:s13] =	ssyncadd.s32 $0xFFFFC000  }
0x47: {  	_ =	swait.ge [sflag:s13], $0x4000  }
0x48: {  	[sflag:s13] =	ssyncset.done $0x0  }
0x49: {  	s18 =	sadd.s32 s19, s6;
	[sflag:s13] =	ssyncadd.s32 $0xFFFFC000  }
0x4a: {  	[hbm4b:s18+s2] =	stream.linear.scatter [tilespmem:s9], [sflag:$0x2], $0x4000, $0x38;
	[tilespmem:$0x10800] =	vst v63  }
0x4b: {  	s19 =	sadd.s32 $0x800, s18  }
0x4c: {  	[hbm4b:s19+s2] =	stream.linear.scatter [tilespmem:s10], [sflag:$0x2], $0x4000, $0x38;
	[tilespmem:$0x10800] =	vst v63  }
0x4d: {  	s19 =	sadd.s32 $0x1000, s18  }
0x4e: {  	[hbm4b:s19+s2] =	stream.linear.scatter [tilespmem:s11], [sflag:$0x2], $0x4000, $0x38;
	[tilespmem:$0x10800] =	vst v63  }
0x4f: {  	s18 =	sadd.s32 $0x1800, s18  }
0x50: {  	[hbm4b:s18+s2] =	stream.linear.scatter [tilespmem:s12], [sflag:$0x2], $0x4000, $0x38;
	[tilespmem:$0x10800] =	vst v63  }
0x51: {  	_ =	swait.ge [sflag:s14], $0x4000  }
0x52: {  	[sflag:s14] =	ssyncset.done $0x0  }
0x53: {  	[sflag:s14] =	ssyncadd.s32 $0xFFFFC000  }
0x54: {  	_ =	swait.ge [sflag:s14], $0x4000  }
0x55: {  	[sflag:s14] =	ssyncset.done $0x0  }
0x56: {  	[sflag:s14] =	ssyncadd.s32 $0xFFFFC000  }
.Ltmp0:
0x57: {  	_ =	swait.ge [sflag:s14], $0x4000;
	(pc) =	sbr.rel @p0 .LBB2_2-.Ltmp0, $4  }
0x58: {  	[sflag:s14] =	ssyncset.done $0x0  }
0x59: {  	[sflag:s14] =	ssyncadd.s32 $0xFFFFC000  }
0x5a: {  	_ =	swait.ge [sflag:s14], $0x4000  }
0x5b: {  	[sflag:s14] =	ssyncset.done $0x0  }
0x5c: {  	s15 =	sadd.s32 $0x1, s15  }
0x5d: {  	p0 =	sne.s32 s15, s5  }
.Ltmp1:
0x5e: {  	_ = 	snop;
	(pc) =	sbr.rel @p0 .LBB2_1-.Ltmp1, $2  }
0x5f: {  	_ =	sdelay $0x2  }
0x60: {  	[sflag:s14] =	ssyncadd.s32 $0xFFFFC000  }
0x61: {  	_ =	sfence.sel $0x180000  }
0x62: {  	[bflag:$0x0] =	sbarrier.arrive $0xFFFF  }
0x63: {  	p0 =	sne.s32 s1, $0x0;
	_ =	strace $0x9000004A  }
0x64: {  	s0 =	sadd.s32 @!p0 $0x100000, s0;
	[bflag:$0x2] =	sbarrier.arrive $0xFFFF  }
0x65: {  	[sflag:s0] =	ssyncadd.tile.s32 @!p0 $0x1;
	_ =	shalt  }
.Lfunc_end2:
_tile_overlayer_lowered:
.L_overlay_start_2:
0x66: {  	(tag) =	ssettag $0x2  }
0x67: {  	s0 =	rddreg [dreg:$0x0];
	s2 =	stileid.u32  }
0x68: {  	s1 =	rddreg [dreg:$0x1];
	p0 =	sne.s32 s2, $0x0  }
0x69: {  	s3 =	rddreg [dreg:$0x2];
	[bflag:$0x3] =	sbarrier.arrive $0xFFFF;
	s2 =	simm.s32 @!p0 $0x1C03  }
0x6a: {  	[timem:s3], [sflag:s2] =	dma.local @!p0 [hbm:s0], s1  }
0x6b: {  	s0 =	simm.s32 @!p0 $0x3  }
0x6c: {  	_ =	swait.ge @!p0 [sflag:s0], s1  }
0x6d: {  	s1 =	ssub.s32 @!p0 $0x0, s1;
	[sflag:s0] =	ssyncset.done @!p0 $0x0  }
0x6e: {  	[sflag:s0] =	ssyncadd.s32 @!p0 s1  }
0x6f: {  	[bflag:$0x3] =	sbarrier.arrive $0xFFFF  }
0x70: {  	_ =	shalt  }

</sc_bundles>
